<compile_context>
chip_gen: v7x
topology: tpu7x:2x2x1
jax: 0.10.2.dev20260603
libtpu: 0.0.44.dev20260713+nightly
codegen_flags: <defaults>
</compile_context>

<pallas_src>
import functools

import jax
import jax.numpy as jnp
from jax import lax
from jax.experimental import pallas as pl
from jax.experimental.pallas import tpu as pltpu
from jax.experimental.pallas import tpu_sc as plsc

L = 16
NC = 2
NS = 16
NW = NC * NS
RCH = 128
UNROLL = 4


@functools.lru_cache(maxsize=None)
def _make_winners(M, B):
    BPW = B // NW
    NV = B // L
    NCHUNK = BPW // RCH
    CAP = BPW + L

    mesh = plsc.VectorSubcoreMesh(
        core_axis_name="c", subcore_axis_name="s", num_cores=NC, num_subcores=NS
    )

    @functools.partial(
        pl.kernel,
        out_type=(
            jax.ShapeDtypeStruct((NW, NCHUNK, RCH), jnp.int32),
            jax.ShapeDtypeStruct((NW, NCHUNK, RCH), jnp.int32),
        ),
        mesh=mesh,
        compiler_params=pltpu.CompilerParams(needs_layout_passes=False),
        scratch_types=[
            pltpu.VMEM((B,), jnp.int32),
            pltpu.VMEM((M,), jnp.int32),
            pltpu.VMEM((CAP,), jnp.int32),
            pltpu.VMEM((CAP,), jnp.int32),
            pltpu.VMEM((NCHUNK, RCH), jnp.int32),
            pltpu.VMEM((NCHUNK, RCH), jnp.int32),
        ],
    )
    def winners_kernel(idx_hbm, cidx_hbm, cpos_hbm, idxf, pos, cidx1, cpos1,
                       cidx2, cpos2):
        c = lax.axis_index("c")
        s = lax.axis_index("s")
        wid = s * NC + c
        lane = lax.iota(jnp.int32, L)

        pltpu.sync_copy(idx_hbm, idxf)

        def p1_body(k, _):
            for u in range(UNROLL):
                off = (k * UNROLL + u) * L
                v = idxf[pl.ds(off, L)]
                plsc.store_scatter(pos, [v], off + lane)
            return 0

        lax.fori_loop(0, NV // UNROLL, p1_body, 0)

        def fix_body(k, _):
            for u in range(UNROLL):
                off = (k * UNROLL + u) * L
                v = idxf[pl.ds(off, L)]
                b = off + lane
                p = plsc.load_gather(pos, [v])
                plsc.store_scatter(pos, [v], b, mask=p < b)
            return 0

        lax.fori_loop(0, NV // UNROLL, fix_body, 0)
        lax.fori_loop(0, NV // UNROLL, fix_body, 0)

        ebase = wid * BPW

        def ext_body(k, cursor):
            v = idxf[pl.ds(ebase + k * L, L)]
            b = ebase + k * L + lane
            p = plsc.load_gather(pos, [v])
            m = p == b
            plsc.store_compressed(cidx1.at[pl.ds(cursor, L)], v, mask=m)
            plsc.store_compressed(cpos1.at[pl.ds(cursor, L)], b, mask=m)
            return cursor + jnp.sum(m.astype(jnp.int32))

        n_win = lax.fori_loop(0, BPW // L, ext_body, jnp.int32(0))

        v0 = idxf[pl.ds(ebase, L)]
        p0 = plsc.load_gather(pos, [v0])
        is0 = lane == 0
        padi = jnp.sum(jnp.where(is0, v0, 0))
        padp = jnp.sum(jnp.where(is0, p0, 0))
        padiv = jnp.full((L,), padi, jnp.int32)
        padpv = jnp.full((L,), padp, jnp.int32)

        def pad_body(t, _):
            cidx1[pl.ds(n_win + t * L, L)] = padiv
            cpos1[pl.ds(n_win + t * L, L)] = padpv
            return 0

        lax.fori_loop(0, (BPW - n_win + L - 1) // L, pad_body, 0)

        for j in range(NCHUNK):
            for t in range(RCH // L):
                cidx2[j, pl.ds(t * L, L)] = cidx1[pl.ds(j * RCH + t * L, L)]
                cpos2[j, pl.ds(t * L, L)] = cpos1[pl.ds(j * RCH + t * L, L)]
        pltpu.sync_copy(cidx2, cidx_hbm.at[wid])
        pltpu.sync_copy(cpos2, cpos_hbm.at[wid])

    return winners_kernel


@functools.lru_cache(maxsize=None)
def _make_row_scatter(M, D, B):
    BPW = B // NW
    NCHUNK = BPW // RCH

    mesh = plsc.VectorSubcoreMesh(
        core_axis_name="c", subcore_axis_name="s", num_cores=NC, num_subcores=NS
    )

    @functools.partial(
        pl.kernel,
        out_type=(),
        mesh=mesh,
        compiler_params=pltpu.CompilerParams(needs_layout_passes=False),
        scratch_types=[
            pltpu.VMEM((NCHUNK, RCH), jnp.int32),
            pltpu.VMEM((NCHUNK, RCH), jnp.int32),
        ]
        + [pltpu.VMEM((RCH, D), jnp.float32) for _ in range(NCHUNK)]
        + [
            pltpu.SemaphoreType.DMA,
            pltpu.SemaphoreType.DMA,
        ],
    )
    def row_scatter_kernel(cidx_hbm, cpos_hbm, val_hbm, out_hbm, cidxv, cposv,
                           *rest):
        rows = rest[:NCHUNK]
        gsem, ssem = rest[NCHUNK:]
        c = lax.axis_index("c")
        s = lax.axis_index("s")
        wid = s * NC + c

        pltpu.sync_copy(cidx_hbm.at[wid], cidxv)
        pltpu.sync_copy(cpos_hbm.at[wid], cposv)

        gathers = [
            pltpu.async_copy(val_hbm.at[cposv.at[j]], rows[j], gsem)
            for j in range(NCHUNK)
        ]
        scatters = []
        for j in range(NCHUNK):
            gathers[j].wait()
            scatters.append(
                pltpu.async_copy(rows[j], out_hbm.at[cidxv.at[j]], ssem)
            )
        for sc_ in scatters:
            sc_.wait()

    return row_scatter_kernel


def kernel(mem, idx, val):
    M, D = mem.shape
    B = idx.shape[0]
    out_ref = jax.new_ref(mem)
    cidx, cpos = _make_winners(M, B)(idx)
    _make_row_scatter(M, D, B)(cidx, cpos, val, out_ref)
    return out_ref[...]

# --- scband reference (transcript-rebuilt; emitter-appended) ---
"""Pipeline reference for scband-buffer-88897233092622 (READ-ONLY COPY).

The authoritative reference and input builder live on the scoring server;
editing this copy changes nothing except your own understanding.
"""

import jax, jax.numpy as jnp
import numpy as np

M = 100000
D = 128
B = 16384

def setup_inputs(seed: int = 0) -> dict:
    key = jax.random.key(seed)
    k1, k2, k3 = jax.random.split(key, 3)
    mem = jax.random.normal(k1, (M, D), dtype=jnp.float32)
    idx = jax.random.randint(k2, (B,), 0, M, dtype=jnp.int32)
    val = jax.random.normal(k3, (B, D), dtype=jnp.float32)
    return {"mem": mem, "idx": idx, "val": val}

def reference(mem, idx, val):
    # Faithful abstraction of Buffer.add_reservoir: overwrite rows of the
    # replay memory at the given slot indices with the incoming batch
    # (scatter-overwrite), then return the updated memory buffer.
    new_mem = mem.at[idx].set(val)
    return new_mem

if __name__ == "__main__":
    import jax
    _d = setup_inputs()
    print(jax.jit(kernel)(*tuple(_d.values())))

</pallas_src>

<mosaic_0001>
#map = affine_map<(d0, d1) -> (0, 0, 0)>
#map1 = affine_map<(d0, d1) -> (0, 0)>
module attributes {stable_mosaic.version = 14 : i64} {
  func.func @new_body(%arg0: i32, %arg1: i32, %arg2: memref<32x4x128xi32, #tpu.memory_space<hbm>>, %arg3: memref<32x4x128xi32, #tpu.memory_space<hbm>>, %arg4: memref<16384x128xf32, #tpu.memory_space<hbm>>, %arg5: memref<100000x128xf32, #tpu.memory_space<hbm>>, %arg6: memref<100000x128xf32, #tpu.memory_space<hbm>>, %arg7: memref<4x128xi32, #tpu.memory_space<vmem>>, %arg8: memref<4x128xi32, #tpu.memory_space<vmem>>, %arg9: memref<128x128xf32, #tpu.memory_space<vmem>>, %arg10: memref<128x128xf32, #tpu.memory_space<vmem>>, %arg11: memref<128x128xf32, #tpu.memory_space<vmem>>, %arg12: memref<128x128xf32, #tpu.memory_space<vmem>>, %arg13: memref<!tpu.dma_semaphore, #tpu.memory_space<semaphore_mem>>, %arg14: memref<!tpu.dma_semaphore, #tpu.memory_space<semaphore_mem>>) attributes {dimension_semantics = [#tpu.dimension_semantics<core_parallel>, #tpu.dimension_semantics<subcore_parallel>], iteration_bounds = array<i64: 2, 16>, scalar_prefetch = 0 : i64, scratch_operands = 8 : i64, tpu.core_type = #tpu.core_type<sc_vector_subcore>, window_params = [{transform_indices = #map}, {transform_indices = #map}, {transform_indices = #map1}, {transform_indices = #map1}, {transform_indices = #map1}]} {
    %mul3A = arith.constant 2 : i32
    %mul3A_0 = arith.muli %arg1, %mul3A : i32
    %add3A = arith.addi %mul3A_0, %arg0 : i32
    "tpu.region"() ({
      %run_scoped3A = tpu.sem_alloc : memref<!tpu.dma_semaphore, #tpu.memory_space<semaphore_mem>>
      %dma_start3A_111 = arith.constant 0 : i32
      %dma_start3A_112 = arith.constant 0 : i32
      %dma_start3A_113 = tpu.memref_slice %arg2[%add3A, %dma_start3A_111, %dma_start3A_112] : memref<32x4x128xi32, #tpu.memory_space<hbm>> -> memref<1x4x128xi32, #tpu.memory_space<hbm>>
      %dma_start3A_114 = tpu.memref_squeeze %dma_start3A_113 : memref<1x4x128xi32, #tpu.memory_space<hbm>> -> memref<4x128xi32, #tpu.memory_space<hbm>>
      %dma_start3A_115 = arith.constant 0 : i32
      %dma_start3A_116 = arith.constant 0 : i32
      %dma_start3A_117 = tpu.memref_slice %arg2[%add3A, %dma_start3A_115, %dma_start3A_116] : memref<32x4x128xi32, #tpu.memory_space<hbm>> -> memref<1x4x128xi32, #tpu.memory_space<hbm>>
      %dma_start3A_118 = tpu.memref_squeeze %dma_start3A_117 : memref<1x4x128xi32, #tpu.memory_space<hbm>> -> memref<4x128xi32, #tpu.memory_space<hbm>>
      tpu.enqueue_dma source(%dma_start3A_118 : memref<4x128xi32, #tpu.memory_space<hbm>>) target(%arg7 : memref<4x128xi32, #tpu.memory_space<vmem>>) target_semaphore(%run_scoped3A : memref<!tpu.dma_semaphore, #tpu.memory_space<semaphore_mem>>)
      %dma_wait3A_119 = arith.constant 0 : i32
      %dma_wait3A_120 = arith.constant 0 : i32
      %dma_wait3A_121 = tpu.memref_slice %arg2[%add3A, %dma_wait3A_119, %dma_wait3A_120] : memref<32x4x128xi32, #tpu.memory_space<hbm>> -> memref<1x4x128xi32, #tpu.memory_space<hbm>>
      %dma_wait3A_122 = tpu.memref_squeeze %dma_wait3A_121 : memref<1x4x128xi32, #tpu.memory_space<hbm>> -> memref<4x128xi32, #tpu.memory_space<hbm>>
      %dma_wait3A_123 = arith.constant 0 : i32
      %dma_wait3A_124 = arith.constant 0 : i32
      %dma_wait3A_125 = tpu.memref_slice %arg2[%add3A, %dma_wait3A_123, %dma_wait3A_124] : memref<32x4x128xi32, #tpu.memory_space<hbm>> -> memref<1x4x128xi32, #tpu.memory_space<hbm>>
      %dma_wait3A_126 = tpu.memref_squeeze %dma_wait3A_125 : memref<1x4x128xi32, #tpu.memory_space<hbm>> -> memref<4x128xi32, #tpu.memory_space<hbm>>
      tpu.wait_dma2 semaphore(%run_scoped3A : memref<!tpu.dma_semaphore, #tpu.memory_space<semaphore_mem>>) src(%dma_wait3A_126 : memref<4x128xi32, #tpu.memory_space<hbm>>) dst(%arg7 : memref<4x128xi32, #tpu.memory_space<vmem>>)
      tpu.yield
    }) : () -> ()
    "tpu.region"() ({
      %run_scoped3A = tpu.sem_alloc : memref<!tpu.dma_semaphore, #tpu.memory_space<semaphore_mem>>
      %dma_start3A_111 = arith.constant 0 : i32
      %dma_start3A_112 = arith.constant 0 : i32
      %dma_start3A_113 = tpu.memref_slice %arg3[%add3A, %dma_start3A_111, %dma_start3A_112] : memref<32x4x128xi32, #tpu.memory_space<hbm>> -> memref<1x4x128xi32, #tpu.memory_space<hbm>>
      %dma_start3A_114 = tpu.memref_squeeze %dma_start3A_113 : memref<1x4x128xi32, #tpu.memory_space<hbm>> -> memref<4x128xi32, #tpu.memory_space<hbm>>
      %dma_start3A_115 = arith.constant 0 : i32
      %dma_start3A_116 = arith.constant 0 : i32
      %dma_start3A_117 = tpu.memref_slice %arg3[%add3A, %dma_start3A_115, %dma_start3A_116] : memref<32x4x128xi32, #tpu.memory_space<hbm>> -> memref<1x4x128xi32, #tpu.memory_space<hbm>>
      %dma_start3A_118 = tpu.memref_squeeze %dma_start3A_117 : memref<1x4x128xi32, #tpu.memory_space<hbm>> -> memref<4x128xi32, #tpu.memory_space<hbm>>
      tpu.enqueue_dma source(%dma_start3A_118 : memref<4x128xi32, #tpu.memory_space<hbm>>) target(%arg8 : memref<4x128xi32, #tpu.memory_space<vmem>>) target_semaphore(%run_scoped3A : memref<!tpu.dma_semaphore, #tpu.memory_space<semaphore_mem>>)
      %dma_wait3A_119 = arith.constant 0 : i32
      %dma_wait3A_120 = arith.constant 0 : i32
      %dma_wait3A_121 = tpu.memref_slice %arg3[%add3A, %dma_wait3A_119, %dma_wait3A_120] : memref<32x4x128xi32, #tpu.memory_space<hbm>> -> memref<1x4x128xi32, #tpu.memory_space<hbm>>
      %dma_wait3A_122 = tpu.memref_squeeze %dma_wait3A_121 : memref<1x4x128xi32, #tpu.memory_space<hbm>> -> memref<4x128xi32, #tpu.memory_space<hbm>>
      %dma_wait3A_123 = arith.constant 0 : i32
      %dma_wait3A_124 = arith.constant 0 : i32
      %dma_wait3A_125 = tpu.memref_slice %arg3[%add3A, %dma_wait3A_123, %dma_wait3A_124] : memref<32x4x128xi32, #tpu.memory_space<hbm>> -> memref<1x4x128xi32, #tpu.memory_space<hbm>>
      %dma_wait3A_126 = tpu.memref_squeeze %dma_wait3A_125 : memref<1x4x128xi32, #tpu.memory_space<hbm>> -> memref<4x128xi32, #tpu.memory_space<hbm>>
      tpu.wait_dma2 semaphore(%run_scoped3A : memref<!tpu.dma_semaphore, #tpu.memory_space<semaphore_mem>>) src(%dma_wait3A_126 : memref<4x128xi32, #tpu.memory_space<hbm>>) dst(%arg8 : memref<4x128xi32, #tpu.memory_space<vmem>>)
      tpu.yield
    }) : () -> ()
    %dma_start3A = arith.constant 0 : i32
    %dma_start3A_1 = arith.constant 0 : i32
    %dma_start3A_2 = tpu.memref_slice %arg8[%dma_start3A, %dma_start3A_1] : memref<4x128xi32, #tpu.memory_space<vmem>> -> memref<1x128xi32, #tpu.memory_space<vmem>>
    %dma_start3A_3 = tpu.memref_squeeze %dma_start3A_2 : memref<1x128xi32, #tpu.memory_space<vmem>> -> memref<128xi32, #tpu.memory_space<vmem>>
    %dma_start3A_4 = arith.constant 0 : i32
    %dma_start3A_5 = arith.constant 0 : i32
    %dma_start3A_6 = tpu.memref_slice %arg4[%dma_start3A_4, %dma_start3A_5] : memref<16384x128xf32, #tpu.memory_space<hbm>> -> memref<16384x128xf32, #tpu.memory_space<hbm>>
    tpu.enqueue_indirect_dma source(%dma_start3A_6 : memref<16384x128xf32, #tpu.memory_space<hbm>>) target(%arg9 : memref<128x128xf32, #tpu.memory_space<vmem>>) offsets(%dma_start3A_3 : memref<128xi32, #tpu.memory_space<vmem>>) semaphore(%arg13 : memref<!tpu.dma_semaphore, #tpu.memory_space<semaphore_mem>>)
    %dma_start3A_7 = arith.constant 1 : i32
    %dma_start3A_8 = arith.constant 0 : i32
    %dma_start3A_9 = tpu.memref_slice %arg8[%dma_start3A_7, %dma_start3A_8] : memref<4x128xi32, #tpu.memory_space<vmem>> -> memref<1x128xi32, #tpu.memory_space<vmem>>
    %dma_start3A_10 = tpu.memref_squeeze %dma_start3A_9 : memref<1x128xi32, #tpu.memory_space<vmem>> -> memref<128xi32, #tpu.memory_space<vmem>>
    %dma_start3A_11 = arith.constant 0 : i32
    %dma_start3A_12 = arith.constant 0 : i32
    %dma_start3A_13 = tpu.memref_slice %arg4[%dma_start3A_11, %dma_start3A_12] : memref<16384x128xf32, #tpu.memory_space<hbm>> -> memref<16384x128xf32, #tpu.memory_space<hbm>>
    tpu.enqueue_indirect_dma source(%dma_start3A_13 : memref<16384x128xf32, #tpu.memory_space<hbm>>) target(%arg10 : memref<128x128xf32, #tpu.memory_space<vmem>>) offsets(%dma_start3A_10 : memref<128xi32, #tpu.memory_space<vmem>>) semaphore(%arg13 : memref<!tpu.dma_semaphore, #tpu.memory_space<semaphore_mem>>)
    %dma_start3A_14 = arith.constant 2 : i32
    %dma_start3A_15 = arith.constant 0 : i32
    %dma_start3A_16 = tpu.memref_slice %arg8[%dma_start3A_14, %dma_start3A_15] : memref<4x128xi32, #tpu.memory_space<vmem>> -> memref<1x128xi32, #tpu.memory_space<vmem>>
    %dma_start3A_17 = tpu.memref_squeeze %dma_start3A_16 : memref<1x128xi32, #tpu.memory_space<vmem>> -> memref<128xi32, #tpu.memory_space<vmem>>
    %dma_start3A_18 = arith.constant 0 : i32
    %dma_start3A_19 = arith.constant 0 : i32
    %dma_start3A_20 = tpu.memref_slice %arg4[%dma_start3A_18, %dma_start3A_19] : memref<16384x128xf32, #tpu.memory_space<hbm>> -> memref<16384x128xf32, #tpu.memory_space<hbm>>
    tpu.enqueue_indirect_dma source(%dma_start3A_20 : memref<16384x128xf32, #tpu.memory_space<hbm>>) target(%arg11 : memref<128x128xf32, #tpu.memory_space<vmem>>) offsets(%dma_start3A_17 : memref<128xi32, #tpu.memory_space<vmem>>) semaphore(%arg13 : memref<!tpu.dma_semaphore, #tpu.memory_space<semaphore_mem>>)
    %dma_start3A_21 = arith.constant 3 : i32
    %dma_start3A_22 = arith.constant 0 : i32
    %dma_start3A_23 = tpu.memref_slice %arg8[%dma_start3A_21, %dma_start3A_22] : memref<4x128xi32, #tpu.memory_space<vmem>> -> memref<1x128xi32, #tpu.memory_space<vmem>>
    %dma_start3A_24 = tpu.memref_squeeze %dma_start3A_23 : memref<1x128xi32, #tpu.memory_space<vmem>> -> memref<128xi32, #tpu.memory_space<vmem>>
    %dma_start3A_25 = arith.constant 0 : i32
    %dma_start3A_26 = arith.constant 0 : i32
    %dma_start3A_27 = tpu.memref_slice %arg4[%dma_start3A_25, %dma_start3A_26] : memref<16384x128xf32, #tpu.memory_space<hbm>> -> memref<16384x128xf32, #tpu.memory_space<hbm>>
    tpu.enqueue_indirect_dma source(%dma_start3A_27 : memref<16384x128xf32, #tpu.memory_space<hbm>>) target(%arg12 : memref<128x128xf32, #tpu.memory_space<vmem>>) offsets(%dma_start3A_24 : memref<128xi32, #tpu.memory_space<vmem>>) semaphore(%arg13 : memref<!tpu.dma_semaphore, #tpu.memory_space<semaphore_mem>>)
    %dma_wait3A = arith.constant 0 : i32
    %dma_wait3A_28 = arith.constant 0 : i32
    %dma_wait3A_29 = tpu.memref_slice %arg8[%dma_wait3A, %dma_wait3A_28] : memref<4x128xi32, #tpu.memory_space<vmem>> -> memref<1x128xi32, #tpu.memory_space<vmem>>
    %dma_wait3A_30 = tpu.memref_squeeze %dma_wait3A_29 : memref<1x128xi32, #tpu.memory_space<vmem>> -> memref<128xi32, #tpu.memory_space<vmem>>
    %dma_wait3A_31 = arith.constant 0 : i32
    %dma_wait3A_32 = arith.constant 0 : i32
    %dma_wait3A_33 = tpu.memref_slice %arg4[%dma_wait3A_31, %dma_wait3A_32] : memref<16384x128xf32, #tpu.memory_space<hbm>> -> memref<16384x128xf32, #tpu.memory_space<hbm>>
    tpu.wait_indirect_dma semaphore(%arg13 : memref<!tpu.dma_semaphore, #tpu.memory_space<semaphore_mem>>) src(%dma_wait3A_33 : memref<16384x128xf32, #tpu.memory_space<hbm>>) dst(%arg9 : memref<128x128xf32, #tpu.memory_space<vmem>>)
    %dma_start3A_34 = arith.constant 0 : i32
    %dma_start3A_35 = arith.constant 0 : i32
    %dma_start3A_36 = tpu.memref_slice %arg7[%dma_start3A_34, %dma_start3A_35] : memref<4x128xi32, #tpu.memory_space<vmem>> -> memref<1x128xi32, #tpu.memory_space<vmem>>
    %dma_start3A_37 = tpu.memref_squeeze %dma_start3A_36 : memref<1x128xi32, #tpu.memory_space<vmem>> -> memref<128xi32, #tpu.memory_space<vmem>>
    %dma_start3A_38 = arith.constant 0 : i32
    %dma_start3A_39 = arith.constant 0 : i32
    %dma_start3A_40 = tpu.memref_slice %arg5[%dma_start3A_38, %dma_start3A_39] : memref<100000x128xf32, #tpu.memory_space<hbm>> -> memref<100000x128xf32, #tpu.memory_space<hbm>>
    tpu.enqueue_indirect_dma source(%arg9 : memref<128x128xf32, #tpu.memory_space<vmem>>) target(%dma_start3A_40 : memref<100000x128xf32, #tpu.memory_space<hbm>>) offsets(%dma_start3A_37 : memref<128xi32, #tpu.memory_space<vmem>>) semaphore(%arg14 : memref<!tpu.dma_semaphore, #tpu.memory_space<semaphore_mem>>)
    %dma_wait3A_41 = arith.constant 1 : i32
    %dma_wait3A_42 = arith.constant 0 : i32
    %dma_wait3A_43 = tpu.memref_slice %arg8[%dma_wait3A_41, %dma_wait3A_42] : memref<4x128xi32, #tpu.memory_space<vmem>> -> memref<1x128xi32, #tpu.memory_space<vmem>>
    %dma_wait3A_44 = tpu.memref_squeeze %dma_wait3A_43 : memref<1x128xi32, #tpu.memory_space<vmem>> -> memref<128xi32, #tpu.memory_space<vmem>>
    %dma_wait3A_45 = arith.constant 0 : i32
    %dma_wait3A_46 = arith.constant 0 : i32
    %dma_wait3A_47 = tpu.memref_slice %arg4[%dma_wait3A_45, %dma_wait3A_46] : memref<16384x128xf32, #tpu.memory_space<hbm>> -> memref<16384x128xf32, #tpu.memory_space<hbm>>
    tpu.wait_indirect_dma semaphore(%arg13 : memref<!tpu.dma_semaphore, #tpu.memory_space<semaphore_mem>>) src(%dma_wait3A_47 : memref<16384x128xf32, #tpu.memory_space<hbm>>) dst(%arg10 : memref<128x128xf32, #tpu.memory_space<vmem>>)
    %dma_start3A_48 = arith.constant 1 : i32
    %dma_start3A_49 = arith.constant 0 : i32
    %dma_start3A_50 = tpu.memref_slice %arg7[%dma_start3A_48, %dma_start3A_49] : memref<4x128xi32, #tpu.memory_space<vmem>> -> memref<1x128xi32, #tpu.memory_space<vmem>>
    %dma_start3A_51 = tpu.memref_squeeze %dma_start3A_50 : memref<1x128xi32, #tpu.memory_space<vmem>> -> memref<128xi32, #tpu.memory_space<vmem>>
    %dma_start3A_52 = arith.constant 0 : i32
    %dma_start3A_53 = arith.constant 0 : i32
    %dma_start3A_54 = tpu.memref_slice %arg5[%dma_start3A_52, %dma_start3A_53] : memref<100000x128xf32, #tpu.memory_space<hbm>> -> memref<100000x128xf32, #tpu.memory_space<hbm>>
    tpu.enqueue_indirect_dma source(%arg10 : memref<128x128xf32, #tpu.memory_space<vmem>>) target(%dma_start3A_54 : memref<100000x128xf32, #tpu.memory_space<hbm>>) offsets(%dma_start3A_51 : memref<128xi32, #tpu.memory_space<vmem>>) semaphore(%arg14 : memref<!tpu.dma_semaphore, #tpu.memory_space<semaphore_mem>>)
    %dma_wait3A_55 = arith.constant 2 : i32
    %dma_wait3A_56 = arith.constant 0 : i32
    %dma_wait3A_57 = tpu.memref_slice %arg8[%dma_wait3A_55, %dma_wait3A_56] : memref<4x128xi32, #tpu.memory_space<vmem>> -> memref<1x128xi32, #tpu.memory_space<vmem>>
    %dma_wait3A_58 = tpu.memref_squeeze %dma_wait3A_57 : memref<1x128xi32, #tpu.memory_space<vmem>> -> memref<128xi32, #tpu.memory_space<vmem>>
    %dma_wait3A_59 = arith.constant 0 : i32
    %dma_wait3A_60 = arith.constant 0 : i32
    %dma_wait3A_61 = tpu.memref_slice %arg4[%dma_wait3A_59, %dma_wait3A_60] : memref<16384x128xf32, #tpu.memory_space<hbm>> -> memref<16384x128xf32, #tpu.memory_space<hbm>>
    tpu.wait_indirect_dma semaphore(%arg13 : memref<!tpu.dma_semaphore, #tpu.memory_space<semaphore_mem>>) src(%dma_wait3A_61 : memref<16384x128xf32, #tpu.memory_space<hbm>>) dst(%arg11 : memref<128x128xf32, #tpu.memory_space<vmem>>)
    %dma_start3A_62 = arith.constant 2 : i32
    %dma_start3A_63 = arith.constant 0 : i32
    %dma_start3A_64 = tpu.memref_slice %arg7[%dma_start3A_62, %dma_start3A_63] : memref<4x128xi32, #tpu.memory_space<vmem>> -> memref<1x128xi32, #tpu.memory_space<vmem>>
    %dma_start3A_65 = tpu.memref_squeeze %dma_start3A_64 : memref<1x128xi32, #tpu.memory_space<vmem>> -> memref<128xi32, #tpu.memory_space<vmem>>
    %dma_start3A_66 = arith.constant 0 : i32
    %dma_start3A_67 = arith.constant 0 : i32
    %dma_start3A_68 = tpu.memref_slice %arg5[%dma_start3A_66, %dma_start3A_67] : memref<100000x128xf32, #tpu.memory_space<hbm>> -> memref<100000x128xf32, #tpu.memory_space<hbm>>
    tpu.enqueue_indirect_dma source(%arg11 : memref<128x128xf32, #tpu.memory_space<vmem>>) target(%dma_start3A_68 : memref<100000x128xf32, #tpu.memory_space<hbm>>) offsets(%dma_start3A_65 : memref<128xi32, #tpu.memory_space<vmem>>) semaphore(%arg14 : memref<!tpu.dma_semaphore, #tpu.memory_space<semaphore_mem>>)
    %dma_wait3A_69 = arith.constant 3 : i32
    %dma_wait3A_70 = arith.constant 0 : i32
    %dma_wait3A_71 = tpu.memref_slice %arg8[%dma_wait3A_69, %dma_wait3A_70] : memref<4x128xi32, #tpu.memory_space<vmem>> -> memref<1x128xi32, #tpu.memory_space<vmem>>
    %dma_wait3A_72 = tpu.memref_squeeze %dma_wait3A_71 : memref<1x128xi32, #tpu.memory_space<vmem>> -> memref<128xi32, #tpu.memory_space<vmem>>
    %dma_wait3A_73 = arith.constant 0 : i32
    %dma_wait3A_74 = arith.constant 0 : i32
    %dma_wait3A_75 = tpu.memref_slice %arg4[%dma_wait3A_73, %dma_wait3A_74] : memref<16384x128xf32, #tpu.memory_space<hbm>> -> memref<16384x128xf32, #tpu.memory_space<hbm>>
    tpu.wait_indirect_dma semaphore(%arg13 : memref<!tpu.dma_semaphore, #tpu.memory_space<semaphore_mem>>) src(%dma_wait3A_75 : memref<16384x128xf32, #tpu.memory_space<hbm>>) dst(%arg12 : memref<128x128xf32, #tpu.memory_space<vmem>>)
    %dma_start3A_76 = arith.constant 3 : i32
    %dma_start3A_77 = arith.constant 0 : i32
    %dma_start3A_78 = tpu.memref_slice %arg7[%dma_start3A_76, %dma_start3A_77] : memref<4x128xi32, #tpu.memory_space<vmem>> -> memref<1x128xi32, #tpu.memory_space<vmem>>
    %dma_start3A_79 = tpu.memref_squeeze %dma_start3A_78 : memref<1x128xi32, #tpu.memory_space<vmem>> -> memref<128xi32, #tpu.memory_space<vmem>>
    %dma_start3A_80 = arith.constant 0 : i32
    %dma_start3A_81 = arith.constant 0 : i32
    %dma_start3A_82 = tpu.memref_slice %arg5[%dma_start3A_80, %dma_start3A_81] : memref<100000x128xf32, #tpu.memory_space<hbm>> -> memref<100000x128xf32, #tpu.memory_space<hbm>>
    tpu.enqueue_indirect_dma source(%arg12 : memref<128x128xf32, #tpu.memory_space<vmem>>) target(%dma_start3A_82 : memref<100000x128xf32, #tpu.memory_space<hbm>>) offsets(%dma_start3A_79 : memref<128xi32, #tpu.memory_space<vmem>>) semaphore(%arg14 : memref<!tpu.dma_semaphore, #tpu.memory_space<semaphore_mem>>)
    %dma_wait3A_83 = arith.constant 0 : i32
    %dma_wait3A_84 = arith.constant 0 : i32
    %dma_wait3A_85 = tpu.memref_slice %arg7[%dma_wait3A_83, %dma_wait3A_84] : memref<4x128xi32, #tpu.memory_space<vmem>> -> memref<1x128xi32, #tpu.memory_space<vmem>>
    %dma_wait3A_86 = tpu.memref_squeeze %dma_wait3A_85 : memref<1x128xi32, #tpu.memory_space<vmem>> -> memref<128xi32, #tpu.memory_space<vmem>>
    %dma_wait3A_87 = arith.constant 0 : i32
    %dma_wait3A_88 = arith.constant 0 : i32
    %dma_wait3A_89 = tpu.memref_slice %arg5[%dma_wait3A_87, %dma_wait3A_88] : memref<100000x128xf32, #tpu.memory_space<hbm>> -> memref<100000x128xf32, #tpu.memory_space<hbm>>
    tpu.wait_indirect_dma semaphore(%arg14 : memref<!tpu.dma_semaphore, #tpu.memory_space<semaphore_mem>>) src(%arg9 : memref<128x128xf32, #tpu.memory_space<vmem>>) dst(%dma_wait3A_89 : memref<100000x128xf32, #tpu.memory_space<hbm>>)
    %dma_wait3A_90 = arith.constant 1 : i32
    %dma_wait3A_91 = arith.constant 0 : i32
    %dma_wait3A_92 = tpu.memref_slice %arg7[%dma_wait3A_90, %dma_wait3A_91] : memref<4x128xi32, #tpu.memory_space<vmem>> -> memref<1x128xi32, #tpu.memory_space<vmem>>
    %dma_wait3A_93 = tpu.memref_squeeze %dma_wait3A_92 : memref<1x128xi32, #tpu.memory_space<vmem>> -> memref<128xi32, #tpu.memory_space<vmem>>
    %dma_wait3A_94 = arith.constant 0 : i32
    %dma_wait3A_95 = arith.constant 0 : i32
    %dma_wait3A_96 = tpu.memref_slice %arg5[%dma_wait3A_94, %dma_wait3A_95] : memref<100000x128xf32, #tpu.memory_space<hbm>> -> memref<100000x128xf32, #tpu.memory_space<hbm>>
    tpu.wait_indirect_dma semaphore(%arg14 : memref<!tpu.dma_semaphore, #tpu.memory_space<semaphore_mem>>) src(%arg10 : memref<128x128xf32, #tpu.memory_space<vmem>>) dst(%dma_wait3A_96 : memref<100000x128xf32, #tpu.memory_space<hbm>>)
    %dma_wait3A_97 = arith.constant 2 : i32
    %dma_wait3A_98 = arith.constant 0 : i32
    %dma_wait3A_99 = tpu.memref_slice %arg7[%dma_wait3A_97, %dma_wait3A_98] : memref<4x128xi32, #tpu.memory_space<vmem>> -> memref<1x128xi32, #tpu.memory_space<vmem>>
    %dma_wait3A_100 = tpu.memref_squeeze %dma_wait3A_99 : memref<1x128xi32, #tpu.memory_space<vmem>> -> memref<128xi32, #tpu.memory_space<vmem>>
    %dma_wait3A_101 = arith.constant 0 : i32
    %dma_wait3A_102 = arith.constant 0 : i32
    %dma_wait3A_103 = tpu.memref_slice %arg5[%dma_wait3A_101, %dma_wait3A_102] : memref<100000x128xf32, #tpu.memory_space<hbm>> -> memref<100000x128xf32, #tpu.memory_space<hbm>>
    tpu.wait_indirect_dma semaphore(%arg14 : memref<!tpu.dma_semaphore, #tpu.memory_space<semaphore_mem>>) src(%arg11 : memref<128x128xf32, #tpu.memory_space<vmem>>) dst(%dma_wait3A_103 : memref<100000x128xf32, #tpu.memory_space<hbm>>)
    %dma_wait3A_104 = arith.constant 3 : i32
    %dma_wait3A_105 = arith.constant 0 : i32
    %dma_wait3A_106 = tpu.memref_slice %arg7[%dma_wait3A_104, %dma_wait3A_105] : memref<4x128xi32, #tpu.memory_space<vmem>> -> memref<1x128xi32, #tpu.memory_space<vmem>>
    %dma_wait3A_107 = tpu.memref_squeeze %dma_wait3A_106 : memref<1x128xi32, #tpu.memory_space<vmem>> -> memref<128xi32, #tpu.memory_space<vmem>>
    %dma_wait3A_108 = arith.constant 0 : i32
    %dma_wait3A_109 = arith.constant 0 : i32
    %dma_wait3A_110 = tpu.memref_slice %arg5[%dma_wait3A_108, %dma_wait3A_109] : memref<100000x128xf32, #tpu.memory_space<hbm>> -> memref<100000x128xf32, #tpu.memory_space<hbm>>
    tpu.wait_indirect_dma semaphore(%arg14 : memref<!tpu.dma_semaphore, #tpu.memory_space<semaphore_mem>>) src(%arg12 : memref<128x128xf32, #tpu.memory_space<vmem>>) dst(%dma_wait3A_110 : memref<100000x128xf32, #tpu.memory_space<hbm>>)
    return
  }
}

#map = affine_map<(d0, d1) -> (0)>
#map1 = affine_map<(d0, d1) -> (0, 0, 0)>
module attributes {stable_mosaic.version = 14 : i64} {
  func.func @winners_kernel(%arg0: i32, %arg1: i32, %arg2: memref<16384xi32, #tpu.memory_space<hbm>>, %arg3: memref<32x4x128xi32, #tpu.memory_space<hbm>>, %arg4: memref<32x4x128xi32, #tpu.memory_space<hbm>>, %arg5: memref<16384xi32, #tpu.memory_space<vmem>>, %arg6: memref<100000xi32, #tpu.memory_space<vmem>>, %arg7: memref<528xi32, #tpu.memory_space<vmem>>, %arg8: memref<528xi32, #tpu.memory_space<vmem>>, %arg9: memref<4x128xi32, #tpu.memory_space<vmem>>, %arg10: memref<4x128xi32, #tpu.memory_space<vmem>>) attributes {dimension_semantics = [#tpu.dimension_semantics<core_parallel>, #tpu.dimension_semantics<subcore_parallel>], iteration_bounds = array<i64: 2, 16>, scalar_prefetch = 0 : i64, scratch_operands = 6 : i64, tpu.core_type = #tpu.core_type<sc_vector_subcore>, window_params = [{transform_indices = #map}, {transform_indices = #map1}, {transform_indices = #map1}]} {
    %mul3A = arith.constant 2 : i32
    %mul3A_0 = arith.muli %arg1, %mul3A : i32
    %add3A = arith.addi %mul3A_0, %arg0 : i32
    %iota3A = tpu.iota {dimensions = array<i32: 0>} : vector<16xi32>
    "tpu.region"() ({
      %run_scoped3A = tpu.sem_alloc : memref<!tpu.dma_semaphore, #tpu.memory_space<semaphore_mem>>
      tpu.enqueue_dma source(%arg2 : memref<16384xi32, #tpu.memory_space<hbm>>) target(%arg5 : memref<16384xi32, #tpu.memory_space<vmem>>) target_semaphore(%run_scoped3A : memref<!tpu.dma_semaphore, #tpu.memory_space<semaphore_mem>>)
      tpu.wait_dma2 semaphore(%run_scoped3A : memref<!tpu.dma_semaphore, #tpu.memory_space<semaphore_mem>>) src(%arg2 : memref<16384xi32, #tpu.memory_space<hbm>>) dst(%arg5 : memref<16384xi32, #tpu.memory_space<vmem>>)
      tpu.yield
    }) : () -> ()
    %scan3A = arith.constant 0 : i32
    %scan3A_1 = arith.constant 0 : i32
    %scan3A_2 = arith.constant 256 : i32
    %scan3A_3 = arith.addi %scan3A_1, %scan3A_2 : i32
    %scan3A_4 = arith.constant 1 : i32
    %scan3A_5 = scf.for %scan3A_463 = %scan3A_1 to %scan3A_3 step %scan3A_4 iter_args(%scan3A_464 = %scan3A) -> (i32)  : i32 {
      %mul3A_465 = arith.constant 4 : i32
      %mul3A_466 = arith.muli %scan3A_463, %mul3A_465 : i32
      %add3A_467 = arith.constant 0 : i32
      %add3A_468 = arith.addi %mul3A_466, %add3A_467 : i32
      %mul3A_469 = arith.constant 16 : i32
      %mul3A_470 = arith.muli %add3A_468, %mul3A_469 : i32
      %get3A_471 = arith.index_cast %mul3A_470 : i32 to index
      %get3A_472 = tpu.vector_load %arg5[%get3A_471] {strides = array<i32>} : memref<16384xi32, #tpu.memory_space<vmem>>, vector<16xi32>,
      %add3A_473 = vector.broadcast %mul3A_470 : i32 to vector<16xi32>
      %add3A_474 = arith.addi %add3A_473, %iota3A : vector<16xi32>
      tpu.vector_store_idx %arg6[%get3A_472], %add3A_474 : memref<100000xi32, #tpu.memory_space<vmem>>[vector<16xi32>], vector<16xi32>,
      %mul3A_475 = arith.constant 4 : i32
      %mul3A_476 = arith.muli %scan3A_463, %mul3A_475 : i32
      %add3A_477 = arith.constant 1 : i32
      %add3A_478 = arith.addi %mul3A_476, %add3A_477 : i32
      %mul3A_479 = arith.constant 16 : i32
      %mul3A_480 = arith.muli %add3A_478, %mul3A_479 : i32
      %get3A_481 = arith.index_cast %mul3A_480 : i32 to index
      %get3A_482 = tpu.vector_load %arg5[%get3A_481] {strides = array<i32>} : memref<16384xi32, #tpu.memory_space<vmem>>, vector<16xi32>,
      %add3A_483 = vector.broadcast %mul3A_480 : i32 to vector<16xi32>
      %add3A_484 = arith.addi %add3A_483, %iota3A : vector<16xi32>
      tpu.vector_store_idx %arg6[%get3A_482], %add3A_484 : memref<100000xi32, #tpu.memory_space<vmem>>[vector<16xi32>], vector<16xi32>,
      %mul3A_485 = arith.constant 4 : i32
      %mul3A_486 = arith.muli %scan3A_463, %mul3A_485 : i32
      %add3A_487 = arith.constant 2 : i32
      %add3A_488 = arith.addi %mul3A_486, %add3A_487 : i32
      %mul3A_489 = arith.constant 16 : i32
      %mul3A_490 = arith.muli %add3A_488, %mul3A_489 : i32
      %get3A_491 = arith.index_cast %mul3A_490 : i32 to index
      %get3A_492 = tpu.vector_load %arg5[%get3A_491] {strides = array<i32>} : memref<16384xi32, #tpu.memory_space<vmem>>, vector<16xi32>,
      %add3A_493 = vector.broadcast %mul3A_490 : i32 to vector<16xi32>
      %add3A_494 = arith.addi %add3A_493, %iota3A : vector<16xi32>
      tpu.vector_store_idx %arg6[%get3A_492], %add3A_494 : memref<100000xi32, #tpu.memory_space<vmem>>[vector<16xi32>], vector<16xi32>,
      %mul3A_495 = arith.constant 4 : i32
      %mul3A_496 = arith.muli %scan3A_463, %mul3A_495 : i32
      %add3A_497 = arith.constant 3 : i32
      %add3A_498 = arith.addi %mul3A_496, %add3A_497 : i32
      %mul3A_499 = arith.constant 16 : i32
      %mul3A_500 = arith.muli %add3A_498, %mul3A_499 : i32
      %get3A_501 = arith.index_cast %mul3A_500 : i32 to index
      %get3A_502 = tpu.vector_load %arg5[%get3A_501] {strides = array<i32>} : memref<16384xi32, #tpu.memory_space<vmem>>, vector<16xi32>,
      %add3A_503 = vector.broadcast %mul3A_500 : i32 to vector<16xi32>
      %add3A_504 = arith.addi %add3A_503, %iota3A : vector<16xi32>
      tpu.vector_store_idx %arg6[%get3A_502], %add3A_504 : memref<100000xi32, #tpu.memory_space<vmem>>[vector<16xi32>], vector<16xi32>,
      %scan3A_505 = arith.constant 0 : i32
      scf.yield %scan3A_505 : i32
    }
    %scan3A_6 = arith.constant 256 : i32
    %scan3A_7 = arith.constant 0 : i32
    %scan3A_8 = arith.constant 0 : i32
    %scan3A_9 = arith.constant 256 : i32
    %scan3A_10 = arith.addi %scan3A_8, %scan3A_9 : i32
    %scan3A_11 = arith.constant 1 : i32
    %scan3A_12 = scf.for %scan3A_463 = %scan3A_8 to %scan3A_10 step %scan3A_11 iter_args(%scan3A_464 = %scan3A_7) -> (i32)  : i32 {
      %mul3A_465 = arith.constant 4 : i32
      %mul3A_466 = arith.muli %scan3A_463, %mul3A_465 : i32
      %add3A_467 = arith.constant 0 : i32
      %add3A_468 = arith.addi %mul3A_466, %add3A_467 : i32
      %mul3A_469 = arith.constant 16 : i32
      %mul3A_470 = arith.muli %add3A_468, %mul3A_469 : i32
      %get3A_471 = arith.index_cast %mul3A_470 : i32 to index
      %get3A_472 = tpu.vector_load %arg5[%get3A_471] {strides = array<i32>} : memref<16384xi32, #tpu.memory_space<vmem>>, vector<16xi32>,
      %add3A_473 = vector.broadcast %mul3A_470 : i32 to vector<16xi32>
      %add3A_474 = arith.addi %add3A_473, %iota3A : vector<16xi32>
      %gather3A_475 = tpu.vector_load_idx %arg6[%get3A_472] : memref<100000xi32, #tpu.memory_space<vmem>>[vector<16xi32>], vector<16xi32>,
      %lt3A = arith.cmpi slt, %gather3A_475, %add3A_474 : vector<16xi32>
      tpu.vector_store_idx %arg6[%get3A_472], %add3A_474 masked %lt3A : memref<100000xi32, #tpu.memory_space<vmem>>[vector<16xi32>], vector<16xi32>, vector<16xi1>
      %mul3A_476 = arith.constant 4 : i32
      %mul3A_477 = arith.muli %scan3A_463, %mul3A_476 : i32
      %add3A_478 = arith.constant 1 : i32
      %add3A_479 = arith.addi %mul3A_477, %add3A_478 : i32
      %mul3A_480 = arith.constant 16 : i32
      %mul3A_481 = arith.muli %add3A_479, %mul3A_480 : i32
      %get3A_482 = arith.index_cast %mul3A_481 : i32 to index
      %get3A_483 = tpu.vector_load %arg5[%get3A_482] {strides = array<i32>} : memref<16384xi32, #tpu.memory_space<vmem>>, vector<16xi32>,
      %add3A_484 = vector.broadcast %mul3A_481 : i32 to vector<16xi32>
      %add3A_485 = arith.addi %add3A_484, %iota3A : vector<16xi32>
      %gather3A_486 = tpu.vector_load_idx %arg6[%get3A_483] : memref<100000xi32, #tpu.memory_space<vmem>>[vector<16xi32>], vector<16xi32>,
      %lt3A_487 = arith.cmpi slt, %gather3A_486, %add3A_485 : vector<16xi32>
      tpu.vector_store_idx %arg6[%get3A_483], %add3A_485 masked %lt3A_487 : memref<100000xi32, #tpu.memory_space<vmem>>[vector<16xi32>], vector<16xi32>, vector<16xi1>
      %mul3A_488 = arith.constant 4 : i32
      %mul3A_489 = arith.muli %scan3A_463, %mul3A_488 : i32
      %add3A_490 = arith.constant 2 : i32
      %add3A_491 = arith.addi %mul3A_489, %add3A_490 : i32
      %mul3A_492 = arith.constant 16 : i32
      %mul3A_493 = arith.muli %add3A_491, %mul3A_492 : i32
      %get3A_494 = arith.index_cast %mul3A_493 : i32 to index
      %get3A_495 = tpu.vector_load %arg5[%get3A_494] {strides = array<i32>} : memref<16384xi32, #tpu.memory_space<vmem>>, vector<16xi32>,
      %add3A_496 = vector.broadcast %mul3A_493 : i32 to vector<16xi32>
      %add3A_497 = arith.addi %add3A_496, %iota3A : vector<16xi32>
      %gather3A_498 = tpu.vector_load_idx %arg6[%get3A_495] : memref<100000xi32, #tpu.memory_space<vmem>>[vector<16xi32>], vector<16xi32>,
      %lt3A_499 = arith.cmpi slt, %gather3A_498, %add3A_497 : vector<16xi32>
      tpu.vector_store_idx %arg6[%get3A_495], %add3A_497 masked %lt3A_499 : memref<100000xi32, #tpu.memory_space<vmem>>[vector<16xi32>], vector<16xi32>, vector<16xi1>
      %mul3A_500 = arith.constant 4 : i32
      %mul3A_501 = arith.muli %scan3A_463, %mul3A_500 : i32
      %add3A_502 = arith.constant 3 : i32
      %add3A_503 = arith.addi %mul3A_501, %add3A_502 : i32
      %mul3A_504 = arith.constant 16 : i32
      %mul3A_505 = arith.muli %add3A_503, %mul3A_504 : i32
      %get3A_506 = arith.index_cast %mul3A_505 : i32 to index
      %get3A_507 = tpu.vector_load %arg5[%get3A_506] {strides = array<i32>} : memref<16384xi32, #tpu.memory_space<vmem>>, vector<16xi32>,
      %add3A_508 = vector.broadcast %mul3A_505 : i32 to vector<16xi32>
      %add3A_509 = arith.addi %add3A_508, %iota3A : vector<16xi32>
      %gather3A_510 = tpu.vector_load_idx %arg6[%get3A_507] : memref<100000xi32, #tpu.memory_space<vmem>>[vector<16xi32>], vector<16xi32>,
      %lt3A_511 = arith.cmpi slt, %gather3A_510, %add3A_509 : vector<16xi32>
      tpu.vector_store_idx %arg6[%get3A_507], %add3A_509 masked %lt3A_511 : memref<100000xi32, #tpu.memory_space<vmem>>[vector<16xi32>], vector<16xi32>, vector<16xi1>
      %scan3A_512 = arith.constant 0 : i32
      scf.yield %scan3A_512 : i32
    }
    %scan3A_13 = arith.constant 256 : i32
    %scan3A_14 = arith.constant 0 : i32
    %scan3A_15 = arith.constant 0 : i32
    %scan3A_16 = arith.constant 256 : i32
    %scan3A_17 = arith.addi %scan3A_15, %scan3A_16 : i32
    %scan3A_18 = arith.constant 1 : i32
    %scan3A_19 = scf.for %scan3A_463 = %scan3A_15 to %scan3A_17 step %scan3A_18 iter_args(%scan3A_464 = %scan3A_14) -> (i32)  : i32 {
      %mul3A_465 = arith.constant 4 : i32
      %mul3A_466 = arith.muli %scan3A_463, %mul3A_465 : i32
      %add3A_467 = arith.constant 0 : i32
      %add3A_468 = arith.addi %mul3A_466, %add3A_467 : i32
      %mul3A_469 = arith.constant 16 : i32
      %mul3A_470 = arith.muli %add3A_468, %mul3A_469 : i32
      %get3A_471 = arith.index_cast %mul3A_470 : i32 to index
      %get3A_472 = tpu.vector_load %arg5[%get3A_471] {strides = array<i32>} : memref<16384xi32, #tpu.memory_space<vmem>>, vector<16xi32>,
      %add3A_473 = vector.broadcast %mul3A_470 : i32 to vector<16xi32>
      %add3A_474 = arith.addi %add3A_473, %iota3A : vector<16xi32>
      %gather3A_475 = tpu.vector_load_idx %arg6[%get3A_472] : memref<100000xi32, #tpu.memory_space<vmem>>[vector<16xi32>], vector<16xi32>,
      %lt3A = arith.cmpi slt, %gather3A_475, %add3A_474 : vector<16xi32>
      tpu.vector_store_idx %arg6[%get3A_472], %add3A_474 masked %lt3A : memref<100000xi32, #tpu.memory_space<vmem>>[vector<16xi32>], vector<16xi32>, vector<16xi1>
      %mul3A_476 = arith.constant 4 : i32
      %mul3A_477 = arith.muli %scan3A_463, %mul3A_476 : i32
      %add3A_478 = arith.constant 1 : i32
      %add3A_479 = arith.addi %mul3A_477, %add3A_478 : i32
      %mul3A_480 = arith.constant 16 : i32
      %mul3A_481 = arith.muli %add3A_479, %mul3A_480 : i32
      %get3A_482 = arith.index_cast %mul3A_481 : i32 to index
      %get3A_483 = tpu.vector_load %arg5[%get3A_482] {strides = array<i32>} : memref<16384xi32, #tpu.memory_space<vmem>>, vector<16xi32>,
      %add3A_484 = vector.broadcast %mul3A_481 : i32 to vector<16xi32>
      %add3A_485 = arith.addi %add3A_484, %iota3A : vector<16xi32>
      %gather3A_486 = tpu.vector_load_idx %arg6[%get3A_483] : memref<100000xi32, #tpu.memory_space<vmem>>[vector<16xi32>], vector<16xi32>,
      %lt3A_487 = arith.cmpi slt, %gather3A_486, %add3A_485 : vector<16xi32>
      tpu.vector_store_idx %arg6[%get3A_483], %add3A_485 masked %lt3A_487 : memref<100000xi32, #tpu.memory_space<vmem>>[vector<16xi32>], vector<16xi32>, vector<16xi1>
      %mul3A_488 = arith.constant 4 : i32
      %mul3A_489 = arith.muli %scan3A_463, %mul3A_488 : i32
      %add3A_490 = arith.constant 2 : i32
      %add3A_491 = arith.addi %mul3A_489, %add3A_490 : i32
      %mul3A_492 = arith.constant 16 : i32
      %mul3A_493 = arith.muli %add3A_491, %mul3A_492 : i32
      %get3A_494 = arith.index_cast %mul3A_493 : i32 to index
      %get3A_495 = tpu.vector_load %arg5[%get3A_494] {strides = array<i32>} : memref<16384xi32, #tpu.memory_space<vmem>>, vector<16xi32>,
      %add3A_496 = vector.broadcast %mul3A_493 : i32 to vector<16xi32>
      %add3A_497 = arith.addi %add3A_496, %iota3A : vector<16xi32>
      %gather3A_498 = tpu.vector_load_idx %arg6[%get3A_495] : memref<100000xi32, #tpu.memory_space<vmem>>[vector<16xi32>], vector<16xi32>,
      %lt3A_499 = arith.cmpi slt, %gather3A_498, %add3A_497 : vector<16xi32>
      tpu.vector_store_idx %arg6[%get3A_495], %add3A_497 masked %lt3A_499 : memref<100000xi32, #tpu.memory_space<vmem>>[vector<16xi32>], vector<16xi32>, vector<16xi1>
      %mul3A_500 = arith.constant 4 : i32
      %mul3A_501 = arith.muli %scan3A_463, %mul3A_500 : i32
      %add3A_502 = arith.constant 3 : i32
      %add3A_503 = arith.addi %mul3A_501, %add3A_502 : i32
      %mul3A_504 = arith.constant 16 : i32
      %mul3A_505 = arith.muli %add3A_503, %mul3A_504 : i32
      %get3A_506 = arith.index_cast %mul3A_505 : i32 to index
      %get3A_507 = tpu.vector_load %arg5[%get3A_506] {strides = array<i32>} : memref<16384xi32, #tpu.memory_space<vmem>>, vector<16xi32>,
      %add3A_508 = vector.broadcast %mul3A_505 : i32 to vector<16xi32>
      %add3A_509 = arith.addi %add3A_508, %iota3A : vector<16xi32>
      %gather3A_510 = tpu.vector_load_idx %arg6[%get3A_507] : memref<100000xi32, #tpu.memory_space<vmem>>[vector<16xi32>], vector<16xi32>,
      %lt3A_511 = arith.cmpi slt, %gather3A_510, %add3A_509 : vector<16xi32>
      tpu.vector_store_idx %arg6[%get3A_507], %add3A_509 masked %lt3A_511 : memref<100000xi32, #tpu.memory_space<vmem>>[vector<16xi32>], vector<16xi32>, vector<16xi1>
      %scan3A_512 = arith.constant 0 : i32
      scf.yield %scan3A_512 : i32
    }
    %scan3A_20 = arith.constant 256 : i32
    %mul3A_21 = arith.constant 512 : i32
    %mul3A_22 = arith.muli %add3A, %mul3A_21 : i32
    %scan3A_23 = arith.constant 0 : i32
    %scan3A_24 = arith.constant 0 : i32
    %scan3A_25 = arith.constant 32 : i32
    %scan3A_26 = arith.addi %scan3A_24, %scan3A_25 : i32
    %scan3A_27 = arith.constant 1 : i32
    %scan3A_28 = scf.for %scan3A_463 = %scan3A_24 to %scan3A_26 step %scan3A_27 iter_args(%scan3A_464 = %scan3A_23) -> (i32)  : i32 {
      %mul3A_465 = arith.constant 16 : i32
      %mul3A_466 = arith.muli %scan3A_463, %mul3A_465 : i32
      %add3A_467 = arith.addi %mul3A_22, %mul3A_466 : i32
      %get3A_468 = arith.index_cast %add3A_467 : i32 to index
      %get3A_469 = tpu.vector_load %arg5[%get3A_468] {strides = array<i32>} : memref<16384xi32, #tpu.memory_space<vmem>>, vector<16xi32>,
      %mul3A_470 = arith.constant 16 : i32
      %mul3A_471 = arith.muli %scan3A_463, %mul3A_470 : i32
      %add3A_472 = arith.addi %mul3A_22, %mul3A_471 : i32
      %add3A_473 = vector.broadcast %add3A_472 : i32 to vector<16xi32>
      %add3A_474 = arith.addi %add3A_473, %iota3A : vector<16xi32>
      %gather3A_475 = tpu.vector_load_idx %arg6[%get3A_469] : memref<100000xi32, #tpu.memory_space<vmem>>[vector<16xi32>], vector<16xi32>,
      %eq3A_476 = arith.cmpi eq, %gather3A_475, %add3A_474 : vector<16xi32>
      %swap3A_477 = arith.index_cast %scan3A_464 : i32 to index
      %swap3A_478 = tpu.vector_load %arg7[%swap3A_477] masked %eq3A_476 {strides = array<i32>} : memref<528xi32, #tpu.memory_space<vmem>>, vector<16xi32>, vector<16xi1>
      tpu.vector_store %arg7[%swap3A_477], %get3A_469 masked %eq3A_476 {strides = array<i32>} : memref<528xi32, #tpu.memory_space<vmem>>, vector<16xi32>, vector<16xi1>
      %swap3A_479 = arith.index_cast %scan3A_464 : i32 to index
      %swap3A_480 = tpu.vector_load %arg8[%swap3A_479] masked %eq3A_476 {strides = array<i32>} : memref<528xi32, #tpu.memory_space<vmem>>, vector<16xi32>, vector<16xi1>
      tpu.vector_store %arg8[%swap3A_479], %add3A_474 masked %eq3A_476 {strides = array<i32>} : memref<528xi32, #tpu.memory_space<vmem>>, vector<16xi32>, vector<16xi1>
      %convert_element_type3A = arith.extui %eq3A_476 : vector<16xi1> to vector<16xi32>
      %reduce_sum3A_481 = arith.constant true
      %reduce_sum3A_482 = vector.broadcast %reduce_sum3A_481 : i1 to vector<16xi1>
      %reduce_sum3A_483 = tpu.scan <sum>, %convert_element_type3A masked %reduce_sum3A_482 : vector<16xi32>, vector<16xi1> -> vector<16xi32>
      %reduce_sum3A_484 = vector.extract %reduce_sum3A_483[15] : i32 from vector<16xi32>
      %add3A_485 = arith.addi %scan3A_464, %reduce_sum3A_484 : i32
      scf.yield %add3A_485 : i32
    }
    %scan3A_29 = arith.constant 32 : i32
    %get3A = arith.index_cast %mul3A_22 : i32 to index
    %get3A_30 = tpu.vector_load %arg5[%get3A] {strides = array<i32>} : memref<16384xi32, #tpu.memory_space<vmem>>, vector<16xi32>,
    %gather3A = tpu.vector_load_idx %arg6[%get3A_30] : memref<100000xi32, #tpu.memory_space<vmem>>[vector<16xi32>], vector<16xi32>,
    %eq3A = arith.constant 0 : i32
    %eq3A_31 = vector.broadcast %eq3A : i32 to vector<16xi32>
    %eq3A_32 = arith.cmpi eq, %iota3A, %eq3A_31 : vector<16xi32>
    %jit3A = arith.constant 0 : i32
    %broadcast_in_dim3A = vector.broadcast %jit3A : i32 to vector<16xi32>
    %select_n3A = arith.select %eq3A_32, %get3A_30, %broadcast_in_dim3A : vector<16xi1>, vector<16xi32>
    %reduce_sum3A = arith.constant true
    %reduce_sum3A_33 = vector.broadcast %reduce_sum3A : i1 to vector<16xi1>
    %reduce_sum3A_34 = tpu.scan <sum>, %select_n3A masked %reduce_sum3A_33 : vector<16xi32>, vector<16xi1> -> vector<16xi32>
    %reduce_sum3A_35 = vector.extract %reduce_sum3A_34[15] : i32 from vector<16xi32>
    %jit3A_36 = arith.constant 0 : i32
    %broadcast_in_dim3A_37 = vector.broadcast %jit3A_36 : i32 to vector<16xi32>
    %select_n3A_38 = arith.select %eq3A_32, %gather3A, %broadcast_in_dim3A_37 : vector<16xi1>, vector<16xi32>
    %reduce_sum3A_39 = arith.constant true
    %reduce_sum3A_40 = vector.broadcast %reduce_sum3A_39 : i1 to vector<16xi1>
    %reduce_sum3A_41 = tpu.scan <sum>, %select_n3A_38 masked %reduce_sum3A_40 : vector<16xi32>, vector<16xi1> -> vector<16xi32>
    %reduce_sum3A_42 = vector.extract %reduce_sum3A_41[15] : i32 from vector<16xi32>
    %broadcast_in_dim3A_43 = vector.broadcast %reduce_sum3A_35 : i32 to vector<16xi32>
    %broadcast_in_dim3A_44 = vector.broadcast %reduce_sum3A_42 : i32 to vector<16xi32>
    %sub3A = arith.constant 512 : i32
    %sub3A_45 = arith.subi %sub3A, %scan3A_28 : i32
    %add3A_46 = arith.constant 16 : i32
    %add3A_47 = arith.addi %sub3A_45, %add3A_46 : i32
    %sub3A_48 = arith.constant 1 : i32
    %sub3A_49 = arith.subi %add3A_47, %sub3A_48 : i32
    %jit3A_50 = arith.constant 16 : i32
    %div3A = arith.divsi %sub3A_49, %jit3A_50 : i32
    %sign3A = arith.constant 0 : i32
    %sign3A_51 = arith.cmpi sgt, %sub3A_49, %sign3A : i32
    %sign3A_52 = arith.extui %sign3A_51 : i1 to i32
    %sign3A_53 = arith.constant 0 : i32
    %sign3A_54 = arith.cmpi slt, %sub3A_49, %sign3A_53 : i32
    %sign3A_55 = arith.extui %sign3A_54 : i1 to i32
    %sign3A_56 = arith.subi %sign3A_52, %sign3A_55 : i32
    %sign3A_57 = arith.constant 0 : i32
    %sign3A_58 = arith.cmpi sgt, %jit3A_50, %sign3A_57 : i32
    %sign3A_59 = arith.extui %sign3A_58 : i1 to i32
    %sign3A_60 = arith.constant 0 : i32
    %sign3A_61 = arith.cmpi slt, %jit3A_50, %sign3A_60 : i32
    %sign3A_62 = arith.extui %sign3A_61 : i1 to i32
    %sign3A_63 = arith.subi %sign3A_59, %sign3A_62 : i32
    %ne3A = arith.cmpi ne, %sign3A_56, %sign3A_63 : i32
    %rem3A = arith.remsi %sub3A_49, %jit3A_50 : i32
    %ne3A_64 = arith.constant 0 : i32
    %ne3A_65 = arith.cmpi ne, %rem3A, %ne3A_64 : i32
    %and3A = arith.andi %ne3A, %ne3A_65 : i1
    %sub3A_66 = arith.constant 1 : i32
    %sub3A_67 = arith.subi %div3A, %sub3A_66 : i32
    %select_n3A_68 = arith.select %and3A, %sub3A_67, %div3A : i32
    %while3A = arith.constant 0 : i32
    %while3A_69 = arith.constant 0 : i32
    %while3A_70 = arith.subi %select_n3A_68, %while3A : i32
    %while3A_71 = arith.addi %while3A, %while3A_70 : i32
    %while3A_72 = arith.constant 1 : i32
    %while3A_73 = arith.divsi %while3A_70, %while3A_72 : i32
    %while3A_74 = arith.muli %while3A_73, %while3A_72 : i32
    %while3A_75 = arith.addi %while3A, %while3A_74 : i32
    %while3A_76 = arith.constant 1 : i32
    %while3A_77 = scf.for %while3A_463 = %while3A to %while3A_75 step %while3A_76 iter_args(%while3A_464 = %while3A_69) -> (i32)  : i32 {
      %mul3A_465 = arith.constant 16 : i32
      %mul3A_466 = arith.muli %while3A_463, %mul3A_465 : i32
      %add3A_467 = arith.addi %scan3A_28, %mul3A_466 : i32
      %swap3A_468 = arith.index_cast %add3A_467 : i32 to index
      %swap3A_469 = tpu.vector_load %arg7[%swap3A_468] {strides = array<i32>} : memref<528xi32, #tpu.memory_space<vmem>>, vector<16xi32>,
      tpu.vector_store %arg7[%swap3A_468], %broadcast_in_dim3A_43 {strides = array<i32>} : memref<528xi32, #tpu.memory_space<vmem>>, vector<16xi32>,
      %mul3A_470 = arith.constant 16 : i32
      %mul3A_471 = arith.muli %while3A_463, %mul3A_470 : i32
      %add3A_472 = arith.addi %scan3A_28, %mul3A_471 : i32
      %swap3A_473 = arith.index_cast %add3A_472 : i32 to index
      %swap3A_474 = tpu.vector_load %arg8[%swap3A_473] {strides = array<i32>} : memref<528xi32, #tpu.memory_space<vmem>>, vector<16xi32>,
      tpu.vector_store %arg8[%swap3A_473], %broadcast_in_dim3A_44 {strides = array<i32>} : memref<528xi32, #tpu.memory_space<vmem>>, vector<16xi32>,
      %while3A_475 = arith.constant 0 : i32
      scf.yield %while3A_475 : i32
    }
    %while3A_78 = arith.constant 1 : i32
    %while3A_79 = scf.for %while3A_463 = %while3A_75 to %while3A_71 step %while3A_78 iter_args(%while3A_464 = %while3A_77) -> (i32)  : i32 {
      %mul3A_465 = arith.constant 16 : i32
      %mul3A_466 = arith.muli %while3A_463, %mul3A_465 : i32
      %add3A_467 = arith.addi %scan3A_28, %mul3A_466 : i32
      %swap3A_468 = arith.index_cast %add3A_467 : i32 to index
      %swap3A_469 = tpu.vector_load %arg7[%swap3A_468] {strides = array<i32>} : memref<528xi32, #tpu.memory_space<vmem>>, vector<16xi32>,
      tpu.vector_store %arg7[%swap3A_468], %broadcast_in_dim3A_43 {strides = array<i32>} : memref<528xi32, #tpu.memory_space<vmem>>, vector<16xi32>,
      %mul3A_470 = arith.constant 16 : i32
      %mul3A_471 = arith.muli %while3A_463, %mul3A_470 : i32
      %add3A_472 = arith.addi %scan3A_28, %mul3A_471 : i32
      %swap3A_473 = arith.index_cast %add3A_472 : i32 to index
      %swap3A_474 = tpu.vector_load %arg8[%swap3A_473] {strides = array<i32>} : memref<528xi32, #tpu.memory_space<vmem>>, vector<16xi32>,
      tpu.vector_store %arg8[%swap3A_473], %broadcast_in_dim3A_44 {strides = array<i32>} : memref<528xi32, #tpu.memory_space<vmem>>, vector<16xi32>,
      %while3A_475 = arith.constant 0 : i32
      scf.yield %while3A_475 : i32
    }
    %get3A_80 = arith.constant 0 : index
    %get3A_81 = tpu.vector_load %arg7[%get3A_80] {strides = array<i32>} : memref<528xi32, #tpu.memory_space<vmem>>, vector<16xi32>,
    %swap3A = arith.constant 0 : i32
    %swap3A_82 = arith.index_cast %swap3A : i32 to index
    %swap3A_83 = arith.constant 0 : index
    %swap3A_84 = tpu.vector_load %arg9[%swap3A_82, %swap3A_83] {strides = array<i32>} : memref<4x128xi32, #tpu.memory_space<vmem>>, vector<16xi32>,
    tpu.vector_store %arg9[%swap3A_82, %swap3A_83], %get3A_81 {strides = array<i32>} : memref<4x128xi32, #tpu.memory_space<vmem>>, vector<16xi32>,
    %get3A_85 = arith.constant 0 : index
    %get3A_86 = tpu.vector_load %arg8[%get3A_85] {strides = array<i32>} : memref<528xi32, #tpu.memory_space<vmem>>, vector<16xi32>,
    %swap3A_87 = arith.constant 0 : i32
    %swap3A_88 = arith.index_cast %swap3A_87 : i32 to index
    %swap3A_89 = arith.constant 0 : index
    %swap3A_90 = tpu.vector_load %arg10[%swap3A_88, %swap3A_89] {strides = array<i32>} : memref<4x128xi32, #tpu.memory_space<vmem>>, vector<16xi32>,
    tpu.vector_store %arg10[%swap3A_88, %swap3A_89], %get3A_86 {strides = array<i32>} : memref<4x128xi32, #tpu.memory_space<vmem>>, vector<16xi32>,
    %get3A_91 = arith.constant 16 : index
    %get3A_92 = tpu.vector_load %arg7[%get3A_91] {strides = array<i32>} : memref<528xi32, #tpu.memory_space<vmem>>, vector<16xi32>,
    %swap3A_93 = arith.constant 0 : i32
    %swap3A_94 = arith.index_cast %swap3A_93 : i32 to index
    %swap3A_95 = arith.constant 16 : index
    %swap3A_96 = tpu.vector_load %arg9[%swap3A_94, %swap3A_95] {strides = array<i32>} : memref<4x128xi32, #tpu.memory_space<vmem>>, vector<16xi32>,
    tpu.vector_store %arg9[%swap3A_94, %swap3A_95], %get3A_92 {strides = array<i32>} : memref<4x128xi32, #tpu.memory_space<vmem>>, vector<16xi32>,
    %get3A_97 = arith.constant 16 : index
    %get3A_98 = tpu.vector_load %arg8[%get3A_97] {strides = array<i32>} : memref<528xi32, #tpu.memory_space<vmem>>, vector<16xi32>,
    %swap3A_99 = arith.constant 0 : i32
    %swap3A_100 = arith.index_cast %swap3A_99 : i32 to index
    %swap3A_101 = arith.constant 16 : index
    %swap3A_102 = tpu.vector_load %arg10[%swap3A_100, %swap3A_101] {strides = array<i32>} : memref<4x128xi32, #tpu.memory_space<vmem>>, vector<16xi32>,
    tpu.vector_store %arg10[%swap3A_100, %swap3A_101], %get3A_98 {strides = array<i32>} : memref<4x128xi32, #tpu.memory_space<vmem>>, vector<16xi32>,
    %get3A_103 = arith.constant 32 : index
    %get3A_104 = tpu.vector_load %arg7[%get3A_103] {strides = array<i32>} : memref<528xi32, #tpu.memory_space<vmem>>, vector<16xi32>,
    %swap3A_105 = arith.constant 0 : i32
    %swap3A_106 = arith.index_cast %swap3A_105 : i32 to index
    %swap3A_107 = arith.constant 32 : index
    %swap3A_108 = tpu.vector_load %arg9[%swap3A_106, %swap3A_107] {strides = array<i32>} : memref<4x128xi32, #tpu.memory_space<vmem>>, vector<16xi32>,
    tpu.vector_store %arg9[%swap3A_106, %swap3A_107], %get3A_104 {strides = array<i32>} : memref<4x128xi32, #tpu.memory_space<vmem>>, vector<16xi32>,
    %get3A_109 = arith.constant 32 : index
    %get3A_110 = tpu.vector_load %arg8[%get3A_109] {strides = array<i32>} : memref<528xi32, #tpu.memory_space<vmem>>, vector<16xi32>,
    %swap3A_111 = arith.constant 0 : i32
    %swap3A_112 = arith.index_cast %swap3A_111 : i32 to index
    %swap3A_113 = arith.constant 32 : index
    %swap3A_114 = tpu.vector_load %arg10[%swap3A_112, %swap3A_113] {strides = array<i32>} : memref<4x128xi32, #tpu.memory_space<vmem>>, vector<16xi32>,
    tpu.vector_store %arg10[%swap3A_112, %swap3A_113], %get3A_110 {strides = array<i32>} : memref<4x128xi32, #tpu.memory_space<vmem>>, vector<16xi32>,
    %get3A_115 = arith.constant 48 : index
    %get3A_116 = tpu.vector_load %arg7[%get3A_115] {strides = array<i32>} : memref<528xi32, #tpu.memory_space<vmem>>, vector<16xi32>,
    %swap3A_117 = arith.constant 0 : i32
    %swap3A_118 = arith.index_cast %swap3A_117 : i32 to index
    %swap3A_119 = arith.constant 48 : index
    %swap3A_120 = tpu.vector_load %arg9[%swap3A_118, %swap3A_119] {strides = array<i32>} : memref<4x128xi32, #tpu.memory_space<vmem>>, vector<16xi32>,
    tpu.vector_store %arg9[%swap3A_118, %swap3A_119], %get3A_116 {strides = array<i32>} : memref<4x128xi32, #tpu.memory_space<vmem>>, vector<16xi32>,
    %get3A_121 = arith.constant 48 : index
    %get3A_122 = tpu.vector_load %arg8[%get3A_121] {strides = array<i32>} : memref<528xi32, #tpu.memory_space<vmem>>, vector<16xi32>,
    %swap3A_123 = arith.constant 0 : i32
    %swap3A_124 = arith.index_cast %swap3A_123 : i32 to index
    %swap3A_125 = arith.constant 48 : index
    %swap3A_126 = tpu.vector_load %arg10[%swap3A_124, %swap3A_125] {strides = array<i32>} : memref<4x128xi32, #tpu.memory_space<vmem>>, vector<16xi32>,
    tpu.vector_store %arg10[%swap3A_124, %swap3A_125], %get3A_122 {strides = array<i32>} : memref<4x128xi32, #tpu.memory_space<vmem>>, vector<16xi32>,
    %get3A_127 = arith.constant 64 : index
    %get3A_128 = tpu.vector_load %arg7[%get3A_127] {strides = array<i32>} : memref<528xi32, #tpu.memory_space<vmem>>, vector<16xi32>,
    %swap3A_129 = arith.constant 0 : i32
    %swap3A_130 = arith.index_cast %swap3A_129 : i32 to index
    %swap3A_131 = arith.constant 64 : index
    %swap3A_132 = tpu.vector_load %arg9[%swap3A_130, %swap3A_131] {strides = array<i32>} : memref<4x128xi32, #tpu.memory_space<vmem>>, vector<16xi32>,
    tpu.vector_store %arg9[%swap3A_130, %swap3A_131], %get3A_128 {strides = array<i32>} : memref<4x128xi32, #tpu.memory_space<vmem>>, vector<16xi32>,
    %get3A_133 = arith.constant 64 : index
    %get3A_134 = tpu.vector_load %arg8[%get3A_133] {strides = array<i32>} : memref<528xi32, #tpu.memory_space<vmem>>, vector<16xi32>,
    %swap3A_135 = arith.constant 0 : i32
    %swap3A_136 = arith.index_cast %swap3A_135 : i32 to index
    %swap3A_137 = arith.constant 64 : index
    %swap3A_138 = tpu.vector_load %arg10[%swap3A_136, %swap3A_137] {strides = array<i32>} : memref<4x128xi32, #tpu.memory_space<vmem>>, vector<16xi32>,
    tpu.vector_store %arg10[%swap3A_136, %swap3A_137], %get3A_134 {strides = array<i32>} : memref<4x128xi32, #tpu.memory_space<vmem>>, vector<16xi32>,
    %get3A_139 = arith.constant 80 : index
    %get3A_140 = tpu.vector_load %arg7[%get3A_139] {strides = array<i32>} : memref<528xi32, #tpu.memory_space<vmem>>, vector<16xi32>,
    %swap3A_141 = arith.constant 0 : i32
    %swap3A_142 = arith.index_cast %swap3A_141 : i32 to index
    %swap3A_143 = arith.constant 80 : index
    %swap3A_144 = tpu.vector_load %arg9[%swap3A_142, %swap3A_143] {strides = array<i32>} : memref<4x128xi32, #tpu.memory_space<vmem>>, vector<16xi32>,
    tpu.vector_store %arg9[%swap3A_142, %swap3A_143], %get3A_140 {strides = array<i32>} : memref<4x128xi32, #tpu.memory_space<vmem>>, vector<16xi32>,
    %get3A_145 = arith.constant 80 : index
    %get3A_146 = tpu.vector_load %arg8[%get3A_145] {strides = array<i32>} : memref<528xi32, #tpu.memory_space<vmem>>, vector<16xi32>,
    %swap3A_147 = arith.constant 0 : i32
    %swap3A_148 = arith.index_cast %swap3A_147 : i32 to index
    %swap3A_149 = arith.constant 80 : index
    %swap3A_150 = tpu.vector_load %arg10[%swap3A_148, %swap3A_149] {strides = array<i32>} : memref<4x128xi32, #tpu.memory_space<vmem>>, vector<16xi32>,
    tpu.vector_store %arg10[%swap3A_148, %swap3A_149], %get3A_146 {strides = array<i32>} : memref<4x128xi32, #tpu.memory_space<vmem>>, vector<16xi32>,
    %get3A_151 = arith.constant 96 : index
    %get3A_152 = tpu.vector_load %arg7[%get3A_151] {strides = array<i32>} : memref<528xi32, #tpu.memory_space<vmem>>, vector<16xi32>,
    %swap3A_153 = arith.constant 0 : i32
    %swap3A_154 = arith.index_cast %swap3A_153 : i32 to index
    %swap3A_155 = arith.constant 96 : index
    %swap3A_156 = tpu.vector_load %arg9[%swap3A_154, %swap3A_155] {strides = array<i32>} : memref<4x128xi32, #tpu.memory_space<vmem>>, vector<16xi32>,
    tpu.vector_store %arg9[%swap3A_154, %swap3A_155], %get3A_152 {strides = array<i32>} : memref<4x128xi32, #tpu.memory_space<vmem>>, vector<16xi32>,
    %get3A_157 = arith.constant 96 : index
    %get3A_158 = tpu.vector_load %arg8[%get3A_157] {strides = array<i32>} : memref<528xi32, #tpu.memory_space<vmem>>, vector<16xi32>,
    %swap3A_159 = arith.constant 0 : i32
    %swap3A_160 = arith.index_cast %swap3A_159 : i32 to index
    %swap3A_161 = arith.constant 96 : index
    %swap3A_162 = tpu.vector_load %arg10[%swap3A_160, %swap3A_161] {strides = array<i32>} : memref<4x128xi32, #tpu.memory_space<vmem>>, vector<16xi32>,
    tpu.vector_store %arg10[%swap3A_160, %swap3A_161], %get3A_158 {strides = array<i32>} : memref<4x128xi32, #tpu.memory_space<vmem>>, vector<16xi32>,
    %get3A_163 = arith.constant 112 : index
    %get3A_164 = tpu.vector_load %arg7[%get3A_163] {strides = array<i32>} : memref<528xi32, #tpu.memory_space<vmem>>, vector<16xi32>,
    %swap3A_165 = arith.constant 0 : i32
    %swap3A_166 = arith.index_cast %swap3A_165 : i32 to index
    %swap3A_167 = arith.constant 112 : index
    %swap3A_168 = tpu.vector_load %arg9[%swap3A_166, %swap3A_167] {strides = array<i32>} : memref<4x128xi32, #tpu.memory_space<vmem>>, vector<16xi32>,
    tpu.vector_store %arg9[%swap3A_166, %swap3A_167], %get3A_164 {strides = array<i32>} : memref<4x128xi32, #tpu.memory_space<vmem>>, vector<16xi32>,
    %get3A_169 = arith.constant 112 : index
    %get3A_170 = tpu.vector_load %arg8[%get3A_169] {strides = array<i32>} : memref<528xi32, #tpu.memory_space<vmem>>, vector<16xi32>,
    %swap3A_171 = arith.constant 0 : i32
    %swap3A_172 = arith.index_cast %swap3A_171 : i32 to index
    %swap3A_173 = arith.constant 112 : index
    %swap3A_174 = tpu.vector_load %arg10[%swap3A_172, %swap3A_173] {strides = array<i32>} : memref<4x128xi32, #tpu.memory_space<vmem>>, vector<16xi32>,
    tpu.vector_store %arg10[%swap3A_172, %swap3A_173], %get3A_170 {strides = array<i32>} : memref<4x128xi32, #tpu.memory_space<vmem>>, vector<16xi32>,
    %get3A_175 = arith.constant 128 : index
    %get3A_176 = tpu.vector_load %arg7[%get3A_175] {strides = array<i32>} : memref<528xi32, #tpu.memory_space<vmem>>, vector<16xi32>,
    %swap3A_177 = arith.constant 1 : i32
    %swap3A_178 = arith.index_cast %swap3A_177 : i32 to index
    %swap3A_179 = arith.constant 0 : index
    %swap3A_180 = tpu.vector_load %arg9[%swap3A_178, %swap3A_179] {strides = array<i32>} : memref<4x128xi32, #tpu.memory_space<vmem>>, vector<16xi32>,
    tpu.vector_store %arg9[%swap3A_178, %swap3A_179], %get3A_176 {strides = array<i32>} : memref<4x128xi32, #tpu.memory_space<vmem>>, vector<16xi32>,
    %get3A_181 = arith.constant 128 : index
    %get3A_182 = tpu.vector_load %arg8[%get3A_181] {strides = array<i32>} : memref<528xi32, #tpu.memory_space<vmem>>, vector<16xi32>,
    %swap3A_183 = arith.constant 1 : i32
    %swap3A_184 = arith.index_cast %swap3A_183 : i32 to index
    %swap3A_185 = arith.constant 0 : index
    %swap3A_186 = tpu.vector_load %arg10[%swap3A_184, %swap3A_185] {strides = array<i32>} : memref<4x128xi32, #tpu.memory_space<vmem>>, vector<16xi32>,
    tpu.vector_store %arg10[%swap3A_184, %swap3A_185], %get3A_182 {strides = array<i32>} : memref<4x128xi32, #tpu.memory_space<vmem>>, vector<16xi32>,
    %get3A_187 = arith.constant 144 : index
    %get3A_188 = tpu.vector_load %arg7[%get3A_187] {strides = array<i32>} : memref<528xi32, #tpu.memory_space<vmem>>, vector<16xi32>,
    %swap3A_189 = arith.constant 1 : i32
    %swap3A_190 = arith.index_cast %swap3A_189 : i32 to index
    %swap3A_191 = arith.constant 16 : index
    %swap3A_192 = tpu.vector_load %arg9[%swap3A_190, %swap3A_191] {strides = array<i32>} : memref<4x128xi32, #tpu.memory_space<vmem>>, vector<16xi32>,
    tpu.vector_store %arg9[%swap3A_190, %swap3A_191], %get3A_188 {strides = array<i32>} : memref<4x128xi32, #tpu.memory_space<vmem>>, vector<16xi32>,
    %get3A_193 = arith.constant 144 : index
    %get3A_194 = tpu.vector_load %arg8[%get3A_193] {strides = array<i32>} : memref<528xi32, #tpu.memory_space<vmem>>, vector<16xi32>,
    %swap3A_195 = arith.constant 1 : i32
    %swap3A_196 = arith.index_cast %swap3A_195 : i32 to index
    %swap3A_197 = arith.constant 16 : index
    %swap3A_198 = tpu.vector_load %arg10[%swap3A_196, %swap3A_197] {strides = array<i32>} : memref<4x128xi32, #tpu.memory_space<vmem>>, vector<16xi32>,
    tpu.vector_store %arg10[%swap3A_196, %swap3A_197], %get3A_194 {strides = array<i32>} : memref<4x128xi32, #tpu.memory_space<vmem>>, vector<16xi32>,
    %get3A_199 = arith.constant 160 : index
    %get3A_200 = tpu.vector_load %arg7[%get3A_199] {strides = array<i32>} : memref<528xi32, #tpu.memory_space<vmem>>, vector<16xi32>,
    %swap3A_201 = arith.constant 1 : i32
    %swap3A_202 = arith.index_cast %swap3A_201 : i32 to index
    %swap3A_203 = arith.constant 32 : index
    %swap3A_204 = tpu.vector_load %arg9[%swap3A_202, %swap3A_203] {strides = array<i32>} : memref<4x128xi32, #tpu.memory_space<vmem>>, vector<16xi32>,
    tpu.vector_store %arg9[%swap3A_202, %swap3A_203], %get3A_200 {strides = array<i32>} : memref<4x128xi32, #tpu.memory_space<vmem>>, vector<16xi32>,
    %get3A_205 = arith.constant 160 : index
    %get3A_206 = tpu.vector_load %arg8[%get3A_205] {strides = array<i32>} : memref<528xi32, #tpu.memory_space<vmem>>, vector<16xi32>,
    %swap3A_207 = arith.constant 1 : i32
    %swap3A_208 = arith.index_cast %swap3A_207 : i32 to index
    %swap3A_209 = arith.constant 32 : index
    %swap3A_210 = tpu.vector_load %arg10[%swap3A_208, %swap3A_209] {strides = array<i32>} : memref<4x128xi32, #tpu.memory_space<vmem>>, vector<16xi32>,
    tpu.vector_store %arg10[%swap3A_208, %swap3A_209], %get3A_206 {strides = array<i32>} : memref<4x128xi32, #tpu.memory_space<vmem>>, vector<16xi32>,
    %get3A_211 = arith.constant 176 : index
    %get3A_212 = tpu.vector_load %arg7[%get3A_211] {strides = array<i32>} : memref<528xi32, #tpu.memory_space<vmem>>, vector<16xi32>,
    %swap3A_213 = arith.constant 1 : i32
    %swap3A_214 = arith.index_cast %swap3A_213 : i32 to index
    %swap3A_215 = arith.constant 48 : index
    %swap3A_216 = tpu.vector_load %arg9[%swap3A_214, %swap3A_215] {strides = array<i32>} : memref<4x128xi32, #tpu.memory_space<vmem>>, vector<16xi32>,
    tpu.vector_store %arg9[%swap3A_214, %swap3A_215], %get3A_212 {strides = array<i32>} : memref<4x128xi32, #tpu.memory_space<vmem>>, vector<16xi32>,
    %get3A_217 = arith.constant 176 : index
    %get3A_218 = tpu.vector_load %arg8[%get3A_217] {strides = array<i32>} : memref<528xi32, #tpu.memory_space<vmem>>, vector<16xi32>,
    %swap3A_219 = arith.constant 1 : i32
    %swap3A_220 = arith.index_cast %swap3A_219 : i32 to index
    %swap3A_221 = arith.constant 48 : index
    %swap3A_222 = tpu.vector_load %arg10[%swap3A_220, %swap3A_221] {strides = array<i32>} : memref<4x128xi32, #tpu.memory_space<vmem>>, vector<16xi32>,
    tpu.vector_store %arg10[%swap3A_220, %swap3A_221], %get3A_218 {strides = array<i32>} : memref<4x128xi32, #tpu.memory_space<vmem>>, vector<16xi32>,
    %get3A_223 = arith.constant 192 : index
    %get3A_224 = tpu.vector_load %arg7[%get3A_223] {strides = array<i32>} : memref<528xi32, #tpu.memory_space<vmem>>, vector<16xi32>,
    %swap3A_225 = arith.constant 1 : i32
    %swap3A_226 = arith.index_cast %swap3A_225 : i32 to index
    %swap3A_227 = arith.constant 64 : index
    %swap3A_228 = tpu.vector_load %arg9[%swap3A_226, %swap3A_227] {strides = array<i32>} : memref<4x128xi32, #tpu.memory_space<vmem>>, vector<16xi32>,
    tpu.vector_store %arg9[%swap3A_226, %swap3A_227], %get3A_224 {strides = array<i32>} : memref<4x128xi32, #tpu.memory_space<vmem>>, vector<16xi32>,
    %get3A_229 = arith.constant 192 : index
    %get3A_230 = tpu.vector_load %arg8[%get3A_229] {strides = array<i32>} : memref<528xi32, #tpu.memory_space<vmem>>, vector<16xi32>,
    %swap3A_231 = arith.constant 1 : i32
    %swap3A_232 = arith.index_cast %swap3A_231 : i32 to index
    %swap3A_233 = arith.constant 64 : index
    %swap3A_234 = tpu.vector_load %arg10[%swap3A_232, %swap3A_233] {strides = array<i32>} : memref<4x128xi32, #tpu.memory_space<vmem>>, vector<16xi32>,
    tpu.vector_store %arg10[%swap3A_232, %swap3A_233], %get3A_230 {strides = array<i32>} : memref<4x128xi32, #tpu.memory_space<vmem>>, vector<16xi32>,
    %get3A_235 = arith.constant 208 : index
    %get3A_236 = tpu.vector_load %arg7[%get3A_235] {strides = array<i32>} : memref<528xi32, #tpu.memory_space<vmem>>, vector<16xi32>,
    %swap3A_237 = arith.constant 1 : i32
    %swap3A_238 = arith.index_cast %swap3A_237 : i32 to index
    %swap3A_239 = arith.constant 80 : index
    %swap3A_240 = tpu.vector_load %arg9[%swap3A_238, %swap3A_239] {strides = array<i32>} : memref<4x128xi32, #tpu.memory_space<vmem>>, vector<16xi32>,
    tpu.vector_store %arg9[%swap3A_238, %swap3A_239], %get3A_236 {strides = array<i32>} : memref<4x128xi32, #tpu.memory_space<vmem>>, vector<16xi32>,
    %get3A_241 = arith.constant 208 : index
    %get3A_242 = tpu.vector_load %arg8[%get3A_241] {strides = array<i32>} : memref<528xi32, #tpu.memory_space<vmem>>, vector<16xi32>,
    %swap3A_243 = arith.constant 1 : i32
    %swap3A_244 = arith.index_cast %swap3A_243 : i32 to index
    %swap3A_245 = arith.constant 80 : index
    %swap3A_246 = tpu.vector_load %arg10[%swap3A_244, %swap3A_245] {strides = array<i32>} : memref<4x128xi32, #tpu.memory_space<vmem>>, vector<16xi32>,
    tpu.vector_store %arg10[%swap3A_244, %swap3A_245], %get3A_242 {strides = array<i32>} : memref<4x128xi32, #tpu.memory_space<vmem>>, vector<16xi32>,
    %get3A_247 = arith.constant 224 : index
    %get3A_248 = tpu.vector_load %arg7[%get3A_247] {strides = array<i32>} : memref<528xi32, #tpu.memory_space<vmem>>, vector<16xi32>,
    %swap3A_249 = arith.constant 1 : i32
    %swap3A_250 = arith.index_cast %swap3A_249 : i32 to index
    %swap3A_251 = arith.constant 96 : index
    %swap3A_252 = tpu.vector_load %arg9[%swap3A_250, %swap3A_251] {strides = array<i32>} : memref<4x128xi32, #tpu.memory_space<vmem>>, vector<16xi32>,
    tpu.vector_store %arg9[%swap3A_250, %swap3A_251], %get3A_248 {strides = array<i32>} : memref<4x128xi32, #tpu.memory_space<vmem>>, vector<16xi32>,
    %get3A_253 = arith.constant 224 : index
    %get3A_254 = tpu.vector_load %arg8[%get3A_253] {strides = array<i32>} : memref<528xi32, #tpu.memory_space<vmem>>, vector<16xi32>,
    %swap3A_255 = arith.constant 1 : i32
    %swap3A_256 = arith.index_cast %swap3A_255 : i32 to index
    %swap3A_257 = arith.constant 96 : index
    %swap3A_258 = tpu.vector_load %arg10[%swap3A_256, %swap3A_257] {strides = array<i32>} : memref<4x128xi32, #tpu.memory_space<vmem>>, vector<16xi32>,
    tpu.vector_store %arg10[%swap3A_256, %swap3A_257], %get3A_254 {strides = array<i32>} : memref<4x128xi32, #tpu.memory_space<vmem>>, vector<16xi32>,
    %get3A_259 = arith.constant 240 : index
    %get3A_260 = tpu.vector_load %arg7[%get3A_259] {strides = array<i32>} : memref<528xi32, #tpu.memory_space<vmem>>, vector<16xi32>,
    %swap3A_261 = arith.constant 1 : i32
    %swap3A_262 = arith.index_cast %swap3A_261 : i32 to index
    %swap3A_263 = arith.constant 112 : index
    %swap3A_264 = tpu.vector_load %arg9[%swap3A_262, %swap3A_263] {strides = array<i32>} : memref<4x128xi32, #tpu.memory_space<vmem>>, vector<16xi32>,
    tpu.vector_store %arg9[%swap3A_262, %swap3A_263], %get3A_260 {strides = array<i32>} : memref<4x128xi32, #tpu.memory_space<vmem>>, vector<16xi32>,
    %get3A_265 = arith.constant 240 : index
    %get3A_266 = tpu.vector_load %arg8[%get3A_265] {strides = array<i32>} : memref<528xi32, #tpu.memory_space<vmem>>, vector<16xi32>,
    %swap3A_267 = arith.constant 1 : i32
    %swap3A_268 = arith.index_cast %swap3A_267 : i32 to index
    %swap3A_269 = arith.constant 112 : index
    %swap3A_270 = tpu.vector_load %arg10[%swap3A_268, %swap3A_269] {strides = array<i32>} : memref<4x128xi32, #tpu.memory_space<vmem>>, vector<16xi32>,
    tpu.vector_store %arg10[%swap3A_268, %swap3A_269], %get3A_266 {strides = array<i32>} : memref<4x128xi32, #tpu.memory_space<vmem>>, vector<16xi32>,
    %get3A_271 = arith.constant 256 : index
    %get3A_272 = tpu.vector_load %arg7[%get3A_271] {strides = array<i32>} : memref<528xi32, #tpu.memory_space<vmem>>, vector<16xi32>,
    %swap3A_273 = arith.constant 2 : i32
    %swap3A_274 = arith.index_cast %swap3A_273 : i32 to index
    %swap3A_275 = arith.constant 0 : index
    %swap3A_276 = tpu.vector_load %arg9[%swap3A_274, %swap3A_275] {strides = array<i32>} : memref<4x128xi32, #tpu.memory_space<vmem>>, vector<16xi32>,
    tpu.vector_store %arg9[%swap3A_274, %swap3A_275], %get3A_272 {strides = array<i32>} : memref<4x128xi32, #tpu.memory_space<vmem>>, vector<16xi32>,
    %get3A_277 = arith.constant 256 : index
    %get3A_278 = tpu.vector_load %arg8[%get3A_277] {strides = array<i32>} : memref<528xi32, #tpu.memory_space<vmem>>, vector<16xi32>,
    %swap3A_279 = arith.constant 2 : i32
    %swap3A_280 = arith.index_cast %swap3A_279 : i32 to index
    %swap3A_281 = arith.constant 0 : index
    %swap3A_282 = tpu.vector_load %arg10[%swap3A_280, %swap3A_281] {strides = array<i32>} : memref<4x128xi32, #tpu.memory_space<vmem>>, vector<16xi32>,
    tpu.vector_store %arg10[%swap3A_280, %swap3A_281], %get3A_278 {strides = array<i32>} : memref<4x128xi32, #tpu.memory_space<vmem>>, vector<16xi32>,
    %get3A_283 = arith.constant 272 : index
    %get3A_284 = tpu.vector_load %arg7[%get3A_283] {strides = array<i32>} : memref<528xi32, #tpu.memory_space<vmem>>, vector<16xi32>,
    %swap3A_285 = arith.constant 2 : i32
    %swap3A_286 = arith.index_cast %swap3A_285 : i32 to index
    %swap3A_287 = arith.constant 16 : index
    %swap3A_288 = tpu.vector_load %arg9[%swap3A_286, %swap3A_287] {strides = array<i32>} : memref<4x128xi32, #tpu.memory_space<vmem>>, vector<16xi32>,
    tpu.vector_store %arg9[%swap3A_286, %swap3A_287], %get3A_284 {strides = array<i32>} : memref<4x128xi32, #tpu.memory_space<vmem>>, vector<16xi32>,
    %get3A_289 = arith.constant 272 : index
    %get3A_290 = tpu.vector_load %arg8[%get3A_289] {strides = array<i32>} : memref<528xi32, #tpu.memory_space<vmem>>, vector<16xi32>,
    %swap3A_291 = arith.constant 2 : i32
    %swap3A_292 = arith.index_cast %swap3A_291 : i32 to index
    %swap3A_293 = arith.constant 16 : index
    %swap3A_294 = tpu.vector_load %arg10[%swap3A_292, %swap3A_293] {strides = array<i32>} : memref<4x128xi32, #tpu.memory_space<vmem>>, vector<16xi32>,
    tpu.vector_store %arg10[%swap3A_292, %swap3A_293], %get3A_290 {strides = array<i32>} : memref<4x128xi32, #tpu.memory_space<vmem>>, vector<16xi32>,
    %get3A_295 = arith.constant 288 : index
    %get3A_296 = tpu.vector_load %arg7[%get3A_295] {strides = array<i32>} : memref<528xi32, #tpu.memory_space<vmem>>, vector<16xi32>,
    %swap3A_297 = arith.constant 2 : i32
    %swap3A_298 = arith.index_cast %swap3A_297 : i32 to index
    %swap3A_299 = arith.constant 32 : index
    %swap3A_300 = tpu.vector_load %arg9[%swap3A_298, %swap3A_299] {strides = array<i32>} : memref<4x128xi32, #tpu.memory_space<vmem>>, vector<16xi32>,
    tpu.vector_store %arg9[%swap3A_298, %swap3A_299], %get3A_296 {strides = array<i32>} : memref<4x128xi32, #tpu.memory_space<vmem>>, vector<16xi32>,
    %get3A_301 = arith.constant 288 : index
    %get3A_302 = tpu.vector_load %arg8[%get3A_301] {strides = array<i32>} : memref<528xi32, #tpu.memory_space<vmem>>, vector<16xi32>,
    %swap3A_303 = arith.constant 2 : i32
    %swap3A_304 = arith.index_cast %swap3A_303 : i32 to index
    %swap3A_305 = arith.constant 32 : index
    %swap3A_306 = tpu.vector_load %arg10[%swap3A_304, %swap3A_305] {strides = array<i32>} : memref<4x128xi32, #tpu.memory_space<vmem>>, vector<16xi32>,
    tpu.vector_store %arg10[%swap3A_304, %swap3A_305], %get3A_302 {strides = array<i32>} : memref<4x128xi32, #tpu.memory_space<vmem>>, vector<16xi32>,
    %get3A_307 = arith.constant 304 : index
    %get3A_308 = tpu.vector_load %arg7[%get3A_307] {strides = array<i32>} : memref<528xi32, #tpu.memory_space<vmem>>, vector<16xi32>,
    %swap3A_309 = arith.constant 2 : i32
    %swap3A_310 = arith.index_cast %swap3A_309 : i32 to index
    %swap3A_311 = arith.constant 48 : index
    %swap3A_312 = tpu.vector_load %arg9[%swap3A_310, %swap3A_311] {strides = array<i32>} : memref<4x128xi32, #tpu.memory_space<vmem>>, vector<16xi32>,
    tpu.vector_store %arg9[%swap3A_310, %swap3A_311], %get3A_308 {strides = array<i32>} : memref<4x128xi32, #tpu.memory_space<vmem>>, vector<16xi32>,
    %get3A_313 = arith.constant 304 : index
    %get3A_314 = tpu.vector_load %arg8[%get3A_313] {strides = array<i32>} : memref<528xi32, #tpu.memory_space<vmem>>, vector<16xi32>,
    %swap3A_315 = arith.constant 2 : i32
    %swap3A_316 = arith.index_cast %swap3A_315 : i32 to index
    %swap3A_317 = arith.constant 48 : index
    %swap3A_318 = tpu.vector_load %arg10[%swap3A_316, %swap3A_317] {strides = array<i32>} : memref<4x128xi32, #tpu.memory_space<vmem>>, vector<16xi32>,
    tpu.vector_store %arg10[%swap3A_316, %swap3A_317], %get3A_314 {strides = array<i32>} : memref<4x128xi32, #tpu.memory_space<vmem>>, vector<16xi32>,
    %get3A_319 = arith.constant 320 : index
    %get3A_320 = tpu.vector_load %arg7[%get3A_319] {strides = array<i32>} : memref<528xi32, #tpu.memory_space<vmem>>, vector<16xi32>,
    %swap3A_321 = arith.constant 2 : i32
    %swap3A_322 = arith.index_cast %swap3A_321 : i32 to index
    %swap3A_323 = arith.constant 64 : index
    %swap3A_324 = tpu.vector_load %arg9[%swap3A_322, %swap3A_323] {strides = array<i32>} : memref<4x128xi32, #tpu.memory_space<vmem>>, vector<16xi32>,
    tpu.vector_store %arg9[%swap3A_322, %swap3A_323], %get3A_320 {strides = array<i32>} : memref<4x128xi32, #tpu.memory_space<vmem>>, vector<16xi32>,
    %get3A_325 = arith.constant 320 : index
    %get3A_326 = tpu.vector_load %arg8[%get3A_325] {strides = array<i32>} : memref<528xi32, #tpu.memory_space<vmem>>, vector<16xi32>,
    %swap3A_327 = arith.constant 2 : i32
    %swap3A_328 = arith.index_cast %swap3A_327 : i32 to index
    %swap3A_329 = arith.constant 64 : index
    %swap3A_330 = tpu.vector_load %arg10[%swap3A_328, %swap3A_329] {strides = array<i32>} : memref<4x128xi32, #tpu.memory_space<vmem>>, vector<16xi32>,
    tpu.vector_store %arg10[%swap3A_328, %swap3A_329], %get3A_326 {strides = array<i32>} : memref<4x128xi32, #tpu.memory_space<vmem>>, vector<16xi32>,
    %get3A_331 = arith.constant 336 : index
    %get3A_332 = tpu.vector_load %arg7[%get3A_331] {strides = array<i32>} : memref<528xi32, #tpu.memory_space<vmem>>, vector<16xi32>,
    %swap3A_333 = arith.constant 2 : i32
    %swap3A_334 = arith.index_cast %swap3A_333 : i32 to index
    %swap3A_335 = arith.constant 80 : index
    %swap3A_336 = tpu.vector_load %arg9[%swap3A_334, %swap3A_335] {strides = array<i32>} : memref<4x128xi32, #tpu.memory_space<vmem>>, vector<16xi32>,
    tpu.vector_store %arg9[%swap3A_334, %swap3A_335], %get3A_332 {strides = array<i32>} : memref<4x128xi32, #tpu.memory_space<vmem>>, vector<16xi32>,
    %get3A_337 = arith.constant 336 : index
    %get3A_338 = tpu.vector_load %arg8[%get3A_337] {strides = array<i32>} : memref<528xi32, #tpu.memory_space<vmem>>, vector<16xi32>,
    %swap3A_339 = arith.constant 2 : i32
    %swap3A_340 = arith.index_cast %swap3A_339 : i32 to index
    %swap3A_341 = arith.constant 80 : index
    %swap3A_342 = tpu.vector_load %arg10[%swap3A_340, %swap3A_341] {strides = array<i32>} : memref<4x128xi32, #tpu.memory_space<vmem>>, vector<16xi32>,
    tpu.vector_store %arg10[%swap3A_340, %swap3A_341], %get3A_338 {strides = array<i32>} : memref<4x128xi32, #tpu.memory_space<vmem>>, vector<16xi32>,
    %get3A_343 = arith.constant 352 : index
    %get3A_344 = tpu.vector_load %arg7[%get3A_343] {strides = array<i32>} : memref<528xi32, #tpu.memory_space<vmem>>, vector<16xi32>,
    %swap3A_345 = arith.constant 2 : i32
    %swap3A_346 = arith.index_cast %swap3A_345 : i32 to index
    %swap3A_347 = arith.constant 96 : index
    %swap3A_348 = tpu.vector_load %arg9[%swap3A_346, %swap3A_347] {strides = array<i32>} : memref<4x128xi32, #tpu.memory_space<vmem>>, vector<16xi32>,
    tpu.vector_store %arg9[%swap3A_346, %swap3A_347], %get3A_344 {strides = array<i32>} : memref<4x128xi32, #tpu.memory_space<vmem>>, vector<16xi32>,
    %get3A_349 = arith.constant 352 : index
    %get3A_350 = tpu.vector_load %arg8[%get3A_349] {strides = array<i32>} : memref<528xi32, #tpu.memory_space<vmem>>, vector<16xi32>,
    %swap3A_351 = arith.constant 2 : i32
    %swap3A_352 = arith.index_cast %swap3A_351 : i32 to index
    %swap3A_353 = arith.constant 96 : index
    %swap3A_354 = tpu.vector_load %arg10[%swap3A_352, %swap3A_353] {strides = array<i32>} : memref<4x128xi32, #tpu.memory_space<vmem>>, vector<16xi32>,
    tpu.vector_store %arg10[%swap3A_352, %swap3A_353], %get3A_350 {strides = array<i32>} : memref<4x128xi32, #tpu.memory_space<vmem>>, vector<16xi32>,
    %get3A_355 = arith.constant 368 : index
    %get3A_356 = tpu.vector_load %arg7[%get3A_355] {strides = array<i32>} : memref<528xi32, #tpu.memory_space<vmem>>, vector<16xi32>,
    %swap3A_357 = arith.constant 2 : i32
    %swap3A_358 = arith.index_cast %swap3A_357 : i32 to index
    %swap3A_359 = arith.constant 112 : index
    %swap3A_360 = tpu.vector_load %arg9[%swap3A_358, %swap3A_359] {strides = array<i32>} : memref<4x128xi32, #tpu.memory_space<vmem>>, vector<16xi32>,
    tpu.vector_store %arg9[%swap3A_358, %swap3A_359], %get3A_356 {strides = array<i32>} : memref<4x128xi32, #tpu.memory_space<vmem>>, vector<16xi32>,
    %get3A_361 = arith.constant 368 : index
    %get3A_362 = tpu.vector_load %arg8[%get3A_361] {strides = array<i32>} : memref<528xi32, #tpu.memory_space<vmem>>, vector<16xi32>,
    %swap3A_363 = arith.constant 2 : i32
    %swap3A_364 = arith.index_cast %swap3A_363 : i32 to index
    %swap3A_365 = arith.constant 112 : index
    %swap3A_366 = tpu.vector_load %arg10[%swap3A_364, %swap3A_365] {strides = array<i32>} : memref<4x128xi32, #tpu.memory_space<vmem>>, vector<16xi32>,
    tpu.vector_store %arg10[%swap3A_364, %swap3A_365], %get3A_362 {strides = array<i32>} : memref<4x128xi32, #tpu.memory_space<vmem>>, vector<16xi32>,
    %get3A_367 = arith.constant 384 : index
    %get3A_368 = tpu.vector_load %arg7[%get3A_367] {strides = array<i32>} : memref<528xi32, #tpu.memory_space<vmem>>, vector<16xi32>,
    %swap3A_369 = arith.constant 3 : i32
    %swap3A_370 = arith.index_cast %swap3A_369 : i32 to index
    %swap3A_371 = arith.constant 0 : index
    %swap3A_372 = tpu.vector_load %arg9[%swap3A_370, %swap3A_371] {strides = array<i32>} : memref<4x128xi32, #tpu.memory_space<vmem>>, vector<16xi32>,
    tpu.vector_store %arg9[%swap3A_370, %swap3A_371], %get3A_368 {strides = array<i32>} : memref<4x128xi32, #tpu.memory_space<vmem>>, vector<16xi32>,
    %get3A_373 = arith.constant 384 : index
    %get3A_374 = tpu.vector_load %arg8[%get3A_373] {strides = array<i32>} : memref<528xi32, #tpu.memory_space<vmem>>, vector<16xi32>,
    %swap3A_375 = arith.constant 3 : i32
    %swap3A_376 = arith.index_cast %swap3A_375 : i32 to index
    %swap3A_377 = arith.constant 0 : index
    %swap3A_378 = tpu.vector_load %arg10[%swap3A_376, %swap3A_377] {strides = array<i32>} : memref<4x128xi32, #tpu.memory_space<vmem>>, vector<16xi32>,
    tpu.vector_store %arg10[%swap3A_376, %swap3A_377], %get3A_374 {strides = array<i32>} : memref<4x128xi32, #tpu.memory_space<vmem>>, vector<16xi32>,
    %get3A_379 = arith.constant 400 : index
    %get3A_380 = tpu.vector_load %arg7[%get3A_379] {strides = array<i32>} : memref<528xi32, #tpu.memory_space<vmem>>, vector<16xi32>,
    %swap3A_381 = arith.constant 3 : i32
    %swap3A_382 = arith.index_cast %swap3A_381 : i32 to index
    %swap3A_383 = arith.constant 16 : index
    %swap3A_384 = tpu.vector_load %arg9[%swap3A_382, %swap3A_383] {strides = array<i32>} : memref<4x128xi32, #tpu.memory_space<vmem>>, vector<16xi32>,
    tpu.vector_store %arg9[%swap3A_382, %swap3A_383], %get3A_380 {strides = array<i32>} : memref<4x128xi32, #tpu.memory_space<vmem>>, vector<16xi32>,
    %get3A_385 = arith.constant 400 : index
    %get3A_386 = tpu.vector_load %arg8[%get3A_385] {strides = array<i32>} : memref<528xi32, #tpu.memory_space<vmem>>, vector<16xi32>,
    %swap3A_387 = arith.constant 3 : i32
    %swap3A_388 = arith.index_cast %swap3A_387 : i32 to index
    %swap3A_389 = arith.constant 16 : index
    %swap3A_390 = tpu.vector_load %arg10[%swap3A_388, %swap3A_389] {strides = array<i32>} : memref<4x128xi32, #tpu.memory_space<vmem>>, vector<16xi32>,
    tpu.vector_store %arg10[%swap3A_388, %swap3A_389], %get3A_386 {strides = array<i32>} : memref<4x128xi32, #tpu.memory_space<vmem>>, vector<16xi32>,
    %get3A_391 = arith.constant 416 : index
    %get3A_392 = tpu.vector_load %arg7[%get3A_391] {strides = array<i32>} : memref<528xi32, #tpu.memory_space<vmem>>, vector<16xi32>,
    %swap3A_393 = arith.constant 3 : i32
    %swap3A_394 = arith.index_cast %swap3A_393 : i32 to index
    %swap3A_395 = arith.constant 32 : index
    %swap3A_396 = tpu.vector_load %arg9[%swap3A_394, %swap3A_395] {strides = array<i32>} : memref<4x128xi32, #tpu.memory_space<vmem>>, vector<16xi32>,
    tpu.vector_store %arg9[%swap3A_394, %swap3A_395], %get3A_392 {strides = array<i32>} : memref<4x128xi32, #tpu.memory_space<vmem>>, vector<16xi32>,
    %get3A_397 = arith.constant 416 : index
    %get3A_398 = tpu.vector_load %arg8[%get3A_397] {strides = array<i32>} : memref<528xi32, #tpu.memory_space<vmem>>, vector<16xi32>,
    %swap3A_399 = arith.constant 3 : i32
    %swap3A_400 = arith.index_cast %swap3A_399 : i32 to index
    %swap3A_401 = arith.constant 32 : index
    %swap3A_402 = tpu.vector_load %arg10[%swap3A_400, %swap3A_401] {strides = array<i32>} : memref<4x128xi32, #tpu.memory_space<vmem>>, vector<16xi32>,
    tpu.vector_store %arg10[%swap3A_400, %swap3A_401], %get3A_398 {strides = array<i32>} : memref<4x128xi32, #tpu.memory_space<vmem>>, vector<16xi32>,
    %get3A_403 = arith.constant 432 : index
    %get3A_404 = tpu.vector_load %arg7[%get3A_403] {strides = array<i32>} : memref<528xi32, #tpu.memory_space<vmem>>, vector<16xi32>,
    %swap3A_405 = arith.constant 3 : i32
    %swap3A_406 = arith.index_cast %swap3A_405 : i32 to index
    %swap3A_407 = arith.constant 48 : index
    %swap3A_408 = tpu.vector_load %arg9[%swap3A_406, %swap3A_407] {strides = array<i32>} : memref<4x128xi32, #tpu.memory_space<vmem>>, vector<16xi32>,
    tpu.vector_store %arg9[%swap3A_406, %swap3A_407], %get3A_404 {strides = array<i32>} : memref<4x128xi32, #tpu.memory_space<vmem>>, vector<16xi32>,
    %get3A_409 = arith.constant 432 : index
    %get3A_410 = tpu.vector_load %arg8[%get3A_409] {strides = array<i32>} : memref<528xi32, #tpu.memory_space<vmem>>, vector<16xi32>,
    %swap3A_411 = arith.constant 3 : i32
    %swap3A_412 = arith.index_cast %swap3A_411 : i32 to index
    %swap3A_413 = arith.constant 48 : index
    %swap3A_414 = tpu.vector_load %arg10[%swap3A_412, %swap3A_413] {strides = array<i32>} : memref<4x128xi32, #tpu.memory_space<vmem>>, vector<16xi32>,
    tpu.vector_store %arg10[%swap3A_412, %swap3A_413], %get3A_410 {strides = array<i32>} : memref<4x128xi32, #tpu.memory_space<vmem>>, vector<16xi32>,
    %get3A_415 = arith.constant 448 : index
    %get3A_416 = tpu.vector_load %arg7[%get3A_415] {strides = array<i32>} : memref<528xi32, #tpu.memory_space<vmem>>, vector<16xi32>,
    %swap3A_417 = arith.constant 3 : i32
    %swap3A_418 = arith.index_cast %swap3A_417 : i32 to index
    %swap3A_419 = arith.constant 64 : index
    %swap3A_420 = tpu.vector_load %arg9[%swap3A_418, %swap3A_419] {strides = array<i32>} : memref<4x128xi32, #tpu.memory_space<vmem>>, vector<16xi32>,
    tpu.vector_store %arg9[%swap3A_418, %swap3A_419], %get3A_416 {strides = array<i32>} : memref<4x128xi32, #tpu.memory_space<vmem>>, vector<16xi32>,
    %get3A_421 = arith.constant 448 : index
    %get3A_422 = tpu.vector_load %arg8[%get3A_421] {strides = array<i32>} : memref<528xi32, #tpu.memory_space<vmem>>, vector<16xi32>,
    %swap3A_423 = arith.constant 3 : i32
    %swap3A_424 = arith.index_cast %swap3A_423 : i32 to index
    %swap3A_425 = arith.constant 64 : index
    %swap3A_426 = tpu.vector_load %arg10[%swap3A_424, %swap3A_425] {strides = array<i32>} : memref<4x128xi32, #tpu.memory_space<vmem>>, vector<16xi32>,
    tpu.vector_store %arg10[%swap3A_424, %swap3A_425], %get3A_422 {strides = array<i32>} : memref<4x128xi32, #tpu.memory_space<vmem>>, vector<16xi32>,
    %get3A_427 = arith.constant 464 : index
    %get3A_428 = tpu.vector_load %arg7[%get3A_427] {strides = array<i32>} : memref<528xi32, #tpu.memory_space<vmem>>, vector<16xi32>,
    %swap3A_429 = arith.constant 3 : i32
    %swap3A_430 = arith.index_cast %swap3A_429 : i32 to index
    %swap3A_431 = arith.constant 80 : index
    %swap3A_432 = tpu.vector_load %arg9[%swap3A_430, %swap3A_431] {strides = array<i32>} : memref<4x128xi32, #tpu.memory_space<vmem>>, vector<16xi32>,
    tpu.vector_store %arg9[%swap3A_430, %swap3A_431], %get3A_428 {strides = array<i32>} : memref<4x128xi32, #tpu.memory_space<vmem>>, vector<16xi32>,
    %get3A_433 = arith.constant 464 : index
    %get3A_434 = tpu.vector_load %arg8[%get3A_433] {strides = array<i32>} : memref<528xi32, #tpu.memory_space<vmem>>, vector<16xi32>,
    %swap3A_435 = arith.constant 3 : i32
    %swap3A_436 = arith.index_cast %swap3A_435 : i32 to index
    %swap3A_437 = arith.constant 80 : index
    %swap3A_438 = tpu.vector_load %arg10[%swap3A_436, %swap3A_437] {strides = array<i32>} : memref<4x128xi32, #tpu.memory_space<vmem>>, vector<16xi32>,
    tpu.vector_store %arg10[%swap3A_436, %swap3A_437], %get3A_434 {strides = array<i32>} : memref<4x128xi32, #tpu.memory_space<vmem>>, vector<16xi32>,
    %get3A_439 = arith.constant 480 : index
    %get3A_440 = tpu.vector_load %arg7[%get3A_439] {strides = array<i32>} : memref<528xi32, #tpu.memory_space<vmem>>, vector<16xi32>,
    %swap3A_441 = arith.constant 3 : i32
    %swap3A_442 = arith.index_cast %swap3A_441 : i32 to index
    %swap3A_443 = arith.constant 96 : index
    %swap3A_444 = tpu.vector_load %arg9[%swap3A_442, %swap3A_443] {strides = array<i32>} : memref<4x128xi32, #tpu.memory_space<vmem>>, vector<16xi32>,
    tpu.vector_store %arg9[%swap3A_442, %swap3A_443], %get3A_440 {strides = array<i32>} : memref<4x128xi32, #tpu.memory_space<vmem>>, vector<16xi32>,
    %get3A_445 = arith.constant 480 : index
    %get3A_446 = tpu.vector_load %arg8[%get3A_445] {strides = array<i32>} : memref<528xi32, #tpu.memory_space<vmem>>, vector<16xi32>,
    %swap3A_447 = arith.constant 3 : i32
    %swap3A_448 = arith.index_cast %swap3A_447 : i32 to index
    %swap3A_449 = arith.constant 96 : index
    %swap3A_450 = tpu.vector_load %arg10[%swap3A_448, %swap3A_449] {strides = array<i32>} : memref<4x128xi32, #tpu.memory_space<vmem>>, vector<16xi32>,
    tpu.vector_store %arg10[%swap3A_448, %swap3A_449], %get3A_446 {strides = array<i32>} : memref<4x128xi32, #tpu.memory_space<vmem>>, vector<16xi32>,
    %get3A_451 = arith.constant 496 : index
    %get3A_452 = tpu.vector_load %arg7[%get3A_451] {strides = array<i32>} : memref<528xi32, #tpu.memory_space<vmem>>, vector<16xi32>,
    %swap3A_453 = arith.constant 3 : i32
    %swap3A_454 = arith.index_cast %swap3A_453 : i32 to index
    %swap3A_455 = arith.constant 112 : index
    %swap3A_456 = tpu.vector_load %arg9[%swap3A_454, %swap3A_455] {strides = array<i32>} : memref<4x128xi32, #tpu.memory_space<vmem>>, vector<16xi32>,
    tpu.vector_store %arg9[%swap3A_454, %swap3A_455], %get3A_452 {strides = array<i32>} : memref<4x128xi32, #tpu.memory_space<vmem>>, vector<16xi32>,
    %get3A_457 = arith.constant 496 : index
    %get3A_458 = tpu.vector_load %arg8[%get3A_457] {strides = array<i32>} : memref<528xi32, #tpu.memory_space<vmem>>, vector<16xi32>,
    %swap3A_459 = arith.constant 3 : i32
    %swap3A_460 = arith.index_cast %swap3A_459 : i32 to index
    %swap3A_461 = arith.constant 112 : index
    %swap3A_462 = tpu.vector_load %arg10[%swap3A_460, %swap3A_461] {strides = array<i32>} : memref<4x128xi32, #tpu.memory_space<vmem>>, vector<16xi32>,
    tpu.vector_store %arg10[%swap3A_460, %swap3A_461], %get3A_458 {strides = array<i32>} : memref<4x128xi32, #tpu.memory_space<vmem>>, vector<16xi32>,
    "tpu.region"() ({
      %run_scoped3A = tpu.sem_alloc : memref<!tpu.dma_semaphore, #tpu.memory_space<semaphore_mem>>
      %dma_start3A = arith.constant 0 : i32
      %dma_start3A_463 = arith.constant 0 : i32
      %dma_start3A_464 = tpu.memref_slice %arg3[%add3A, %dma_start3A, %dma_start3A_463] : memref<32x4x128xi32, #tpu.memory_space<hbm>> -> memref<1x4x128xi32, #tpu.memory_space<hbm>>
      %dma_start3A_465 = tpu.memref_squeeze %dma_start3A_464 : memref<1x4x128xi32, #tpu.memory_space<hbm>> -> memref<4x128xi32, #tpu.memory_space<hbm>>
      %dma_start3A_466 = arith.constant 0 : i32
      %dma_start3A_467 = arith.constant 0 : i32
      %dma_start3A_468 = tpu.memref_slice %arg3[%add3A, %dma_start3A_466, %dma_start3A_467] : memref<32x4x128xi32, #tpu.memory_space<hbm>> -> memref<1x4x128xi32, #tpu.memory_space<hbm>>
      %dma_start3A_469 = tpu.memref_squeeze %dma_start3A_468 : memref<1x4x128xi32, #tpu.memory_space<hbm>> -> memref<4x128xi32, #tpu.memory_space<hbm>>
      tpu.enqueue_dma source(%arg9 : memref<4x128xi32, #tpu.memory_space<vmem>>) target(%dma_start3A_469 : memref<4x128xi32, #tpu.memory_space<hbm>>) target_semaphore(%run_scoped3A : memref<!tpu.dma_semaphore, #tpu.memory_space<semaphore_mem>>)
      %dma_wait3A = arith.constant 0 : i32
      %dma_wait3A_470 = arith.constant 0 : i32
      %dma_wait3A_471 = tpu.memref_slice %arg3[%add3A, %dma_wait3A, %dma_wait3A_470] : memref<32x4x128xi32, #tpu.memory_space<hbm>> -> memref<1x4x128xi32, #tpu.memory_space<hbm>>
      %dma_wait3A_472 = tpu.memref_squeeze %dma_wait3A_471 : memref<1x4x128xi32, #tpu.memory_space<hbm>> -> memref<4x128xi32, #tpu.memory_space<hbm>>
      %dma_wait3A_473 = arith.constant 0 : i32
      %dma_wait3A_474 = arith.constant 0 : i32
      %dma_wait3A_475 = tpu.memref_slice %arg3[%add3A, %dma_wait3A_473, %dma_wait3A_474] : memref<32x4x128xi32, #tpu.memory_space<hbm>> -> memref<1x4x128xi32, #tpu.memory_space<hbm>>
      %dma_wait3A_476 = tpu.memref_squeeze %dma_wait3A_475 : memref<1x4x128xi32, #tpu.memory_space<hbm>> -> memref<4x128xi32, #tpu.memory_space<hbm>>
      tpu.wait_dma2 semaphore(%run_scoped3A : memref<!tpu.dma_semaphore, #tpu.memory_space<semaphore_mem>>) src(%arg9 : memref<4x128xi32, #tpu.memory_space<vmem>>) dst(%dma_wait3A_476 : memref<4x128xi32, #tpu.memory_space<hbm>>)
      tpu.yield
    }) : () -> ()
    "tpu.region"() ({
      %run_scoped3A = tpu.sem_alloc : memref<!tpu.dma_semaphore, #tpu.memory_space<semaphore_mem>>
      %dma_start3A = arith.constant 0 : i32
      %dma_start3A_463 = arith.constant 0 : i32
      %dma_start3A_464 = tpu.memref_slice %arg4[%add3A, %dma_start3A, %dma_start3A_463] : memref<32x4x128xi32, #tpu.memory_space<hbm>> -> memref<1x4x128xi32, #tpu.memory_space<hbm>>
      %dma_start3A_465 = tpu.memref_squeeze %dma_start3A_464 : memref<1x4x128xi32, #tpu.memory_space<hbm>> -> memref<4x128xi32, #tpu.memory_space<hbm>>
      %dma_start3A_466 = arith.constant 0 : i32
      %dma_start3A_467 = arith.constant 0 : i32
      %dma_start3A_468 = tpu.memref_slice %arg4[%add3A, %dma_start3A_466, %dma_start3A_467] : memref<32x4x128xi32, #tpu.memory_space<hbm>> -> memref<1x4x128xi32, #tpu.memory_space<hbm>>
      %dma_start3A_469 = tpu.memref_squeeze %dma_start3A_468 : memref<1x4x128xi32, #tpu.memory_space<hbm>> -> memref<4x128xi32, #tpu.memory_space<hbm>>
      tpu.enqueue_dma source(%arg10 : memref<4x128xi32, #tpu.memory_space<vmem>>) target(%dma_start3A_469 : memref<4x128xi32, #tpu.memory_space<hbm>>) target_semaphore(%run_scoped3A : memref<!tpu.dma_semaphore, #tpu.memory_space<semaphore_mem>>)
      %dma_wait3A = arith.constant 0 : i32
      %dma_wait3A_470 = arith.constant 0 : i32
      %dma_wait3A_471 = tpu.memref_slice %arg4[%add3A, %dma_wait3A, %dma_wait3A_470] : memref<32x4x128xi32, #tpu.memory_space<hbm>> -> memref<1x4x128xi32, #tpu.memory_space<hbm>>
      %dma_wait3A_472 = tpu.memref_squeeze %dma_wait3A_471 : memref<1x4x128xi32, #tpu.memory_space<hbm>> -> memref<4x128xi32, #tpu.memory_space<hbm>>
      %dma_wait3A_473 = arith.constant 0 : i32
      %dma_wait3A_474 = arith.constant 0 : i32
      %dma_wait3A_475 = tpu.memref_slice %arg4[%add3A, %dma_wait3A_473, %dma_wait3A_474] : memref<32x4x128xi32, #tpu.memory_space<hbm>> -> memref<1x4x128xi32, #tpu.memory_space<hbm>>
      %dma_wait3A_476 = tpu.memref_squeeze %dma_wait3A_475 : memref<1x4x128xi32, #tpu.memory_space<hbm>> -> memref<4x128xi32, #tpu.memory_space<hbm>>
      tpu.wait_dma2 semaphore(%run_scoped3A : memref<!tpu.dma_semaphore, #tpu.memory_space<semaphore_mem>>) src(%arg10 : memref<4x128xi32, #tpu.memory_space<vmem>>) dst(%dma_wait3A_476 : memref<4x128xi32, #tpu.memory_space<hbm>>)
      tpu.yield
    }) : () -> ()
    return
  }
}

</mosaic_0001>

<sc_bundles>
// kernel: kernel.4.cloned.1.call-start
scs
__scs_entry_jumppad:
0x0: {  	(pc) =	sbr.rel $0x88, $3  }
0x1: {  	(tag) =	ssettag $0x0;
	lr =	simm.s32 $0x1  }
0x2: {  	[smem:$0x3F9E] =	sst lr;
	_ =	strace $0xD0000000  }
0x3: {  	_ = 	snop  }
0x4: {  	_ = 	snop  }
0x5: {  	_ = 	snop  }
0x6: {  	_ = 	snop  }
0x7: {  	_ = 	snop  }
__scs_overlays_trampoline_lowered:
0x8: {  	[smem:$0x3FAD] =	sst s0  }
0x9: {  	[smem:$0x3FAE] =	sst s1  }
0xa: {  	[smem:$0x3FAF] =	sst s2  }
0xb: {  	[smem:$0x3FB0] =	sst s3  }
0xc: {  	[smem:$0x3FB1] =	sst s4  }
0xd: {  	[smem:$0x3FB2] =	sst s5  }
0xe: {  	[smem:$0x3FB3] =	sst s6  }
0xf: {  	[smem:$0x3FB4] =	sst s7  }
0x10: {  	[smem:$0x3FB5] =	sst s8  }
0x11: {  	[smem:$0x3FB6] =	sst s9;
	s0 =	simm.s32 @!p0 $0x0  }
0x12: {  	s1 =	sld [smem:$0x3F9C];
	s0 =	simm.s32 @p0 $0x1  }
0x13: {  	[smem:$0x3FB7] =	sst s0;
	s0 =	simm.s32 @!p1 $0x0  }
0x14: {  	s2 =	sld [smem:$0x3F9B];
	s0 =	simm.s32 @p1 $0x1  }
0x15: {  	[smem:$0x3FB8] =	sst s0;
	s0 =	simm.s32 @!p2 $0x0  }
0x16: {  	s3 =	sld [smem:$0x3FDB];
	s0 =	simm.s32 @p2 $0x1  }
0x17: {  	s4 =	simm.s32 $0x1BF5;
	[smem:$0x3FBA] =	sst s0  }
0x18: {  	s0 =	sld [smem:$0x3F9D];
	_ =	swait.ge [sflag:s4], $0x0  }
0x19: {  	s7 =	sld [smem:$0x3F9E]  }
0x1a: {  	s8 =	sadd.s32 $0xFFFFE003, lr  }
0x1b: {  	s9 =	sadd.s32 $0xFFFFFEF7, lr;
	s5 =	simm.s32 $0xFFFFFFFF;
	p2 =	slt.u32 s8, $0xFFFFF086  }
0x1c: {  	p1 =	slt.u32 s9, $0xF7A;
	s5 =	simm.s32 @!p2 $0x0  }
0x1d: {  	s5 =	simm.s32 @p1 $0x1;
	p0 =	seq.s32 s7, s2  }
0x1e: {  	s7 =	smul.u32 @!p0 $0xF7A, s2;
	p2 =	seq.s32 @!p0 s5, $0x0  }
0x1f: {  	s9 =	smul.u32 $0xF7A, s1;
	s8 =	simm.s32 @!p0 $0x1BF5;
	p2 =	por !p2, p0  }
0x20: {  	[sflag:s8] =	ssyncset.s32 @!p0 $0xFFFFF086;
	s6 =	sadd.s32 @!p0 s3, s7;
	s7 =	simm.s32 @!p0 $0x108  }
0x21: {  	s3 =	sadd.s32 s3, s9;
	s6 =	sadd.s32 @!p0 $0x88, s6;
	s7 =	simm.s32 @p2 $0x1082  }
0x22: {  	[simem:s7], [sflag:s8] =	dma.local @!p0 [hbm:s6], $0xF7A  }
0x23: {  	s9 =	sor.u32 $0xD0000000, s2;
	s6 =	simm.s32 $0x108;
	_ =	swait.ge @!p0 [sflag:s8], $0x0  }
0x24: {  	s3 =	sadd.s32 $0x88, s3;
	s6 =	simm.s32 @!p1 $0x1082;
	[sflag:s4] =	ssyncset.s32 $0xFFFFF086  }
0x25: {  	[simem:s6], [sflag:s4] =	dma.local [hbm:s3], $0xF7A  }
0x26: {  	[smem:$0x3F9E] =	sst s1;
	(tag) =	ssettag s2;
	_ =	strace s9  }
0x27: {  	s1 =	sld [smem:$0x3FAE]  }
0x28: {  	s2 =	sld [smem:$0x3FAF]  }
0x29: {  	s4 =	sld [smem:$0x3FB1]  }
0x2a: {  	p0 =	seq.s32 s5, $0x0;
	s5 =	sld [smem:$0x3FB2]  }
0x2b: {  	s6 =	sld [smem:$0x3FB3]  }
0x2c: {  	s7 =	sld [smem:$0x3FB4]  }
0x2d: {  	s3 =	simm.s32 $0x108;
	s8 =	sld [smem:$0x3FB5]  }
0x2e: {  	s3 =	simm.s32 @!p0 $0x1082;
	s9 =	sld [smem:$0x3FB6]  }
0x2f: {  	lr =	sadd.s32 s0, s3;
	s0 =	sld [smem:$0x3FAD]  }
0x30: {  	s3 =	sld [smem:$0x3FB0]  }
0x31: {  	[smem:$0x3FB9] =	sst s10  }
0x32: {  	s10 =	sld [smem:$0x3FB7];
	_ =	sdelay $0x3  }
0x33: {  	p0 =	seq.s32 s10, $0x1;
	s10 =	sld [smem:$0x3FB9];
	_ =	sdelay $0x3  }
0x34: {  	[smem:$0x3FB9] =	sst s10  }
0x35: {  	s10 =	sld [smem:$0x3FB8];
	_ =	sdelay $0x3  }
0x36: {  	p1 =	seq.s32 s10, $0x1;
	s10 =	sld [smem:$0x3FB9];
	_ =	sdelay $0x3  }
0x37: {  	[smem:$0x3FB9] =	sst s10  }
0x38: {  	s10 =	sld [smem:$0x3FBA]  }
0x39: {  	_ = 	snop;
	(pc) =	sbr.ind lr, $3  }
0x3a: {  	_ = 	snop  }
0x3b: {  	_ = 	snop  }
0x3c: {  	p2 =	seq.s32 s10, $0x1;
	s10 =	sld [smem:$0x3FB9]  }
0x3d: {  	_ =	shalt  }
0x3e: {  	_ =	shalt  }
0x3f: {  	_ =	shalt  }
0x40: {  	_ =	shalt  }
0x41: {  	_ =	shalt  }
0x42: {  	_ =	shalt  }
0x43: {  	_ =	shalt  }
0x44: {  	_ =	shalt  }
0x45: {  	_ =	shalt  }
0x46: {  	_ =	shalt  }
0x47: {  	_ =	shalt  }
0x48: {  	_ =	shalt  }
0x49: {  	_ =	shalt  }
0x4a: {  	_ =	shalt  }
0x4b: {  	_ =	shalt  }
0x4c: {  	_ =	shalt  }
0x4d: {  	_ =	shalt  }
0x4e: {  	_ =	shalt  }
0x4f: {  	_ =	shalt  }
0x50: {  	_ =	shalt  }
0x51: {  	_ =	shalt  }
0x52: {  	_ =	shalt  }
0x53: {  	_ =	shalt  }
0x54: {  	_ =	shalt  }
0x55: {  	_ =	shalt  }
0x56: {  	_ =	shalt  }
0x57: {  	_ =	shalt  }
0x58: {  	_ =	shalt  }
0x59: {  	_ =	shalt  }
0x5a: {  	_ =	shalt  }
0x5b: {  	_ =	shalt  }
0x5c: {  	_ =	shalt  }
0x5d: {  	_ =	shalt  }
0x5e: {  	_ =	shalt  }
0x5f: {  	_ =	shalt  }
0x60: {  	_ =	shalt  }
0x61: {  	_ =	shalt  }
0x62: {  	_ =	shalt  }
0x63: {  	_ =	shalt  }
0x64: {  	_ =	shalt  }
0x65: {  	_ =	shalt  }
0x66: {  	_ =	shalt  }
0x67: {  	_ =	shalt  }
0x68: {  	_ =	shalt  }
0x69: {  	_ =	shalt  }
0x6a: {  	_ =	shalt  }
0x6b: {  	_ =	shalt  }
0x6c: {  	_ =	shalt  }
0x6d: {  	_ =	shalt  }
0x6e: {  	_ =	shalt  }
0x6f: {  	_ =	shalt  }
0x70: {  	_ =	shalt  }
0x71: {  	_ =	shalt  }
0x72: {  	_ =	shalt  }
0x73: {  	_ =	shalt  }
0x74: {  	_ =	shalt  }
0x75: {  	_ =	shalt  }
0x76: {  	_ =	shalt  }
0x77: {  	_ =	shalt  }
0x78: {  	_ =	shalt  }
0x79: {  	_ =	shalt  }
0x7a: {  	_ =	shalt  }
0x7b: {  	_ =	shalt  }
0x7c: {  	_ =	shalt  }
0x7d: {  	_ =	shalt  }
0x7e: {  	_ =	shalt  }
0x7f: {  	_ =	shalt  }
0x80: {  	_ =	shalt  }
0x81: {  	_ =	shalt  }
0x82: {  	_ =	shalt  }
0x83: {  	_ =	shalt  }
0x84: {  	_ =	shalt  }
0x85: {  	_ =	shalt  }
0x86: {  	_ =	shalt  }
0x87: {  	_ =	shalt  }
.Lfunc_end0:
.L_simem_size_0:
called_computation_lowered:
.L_overlay_start_0:
0x88: {  	s2 =	sld [smem:$0x3FD9]  }
0x89: {  	s3 =	sld [smem:$0x3FFE];
	_ =	sdelay $0x1  }
0x8a: {  	s1 =	srdreg.scid  }
0x8b: {  	s0 =	sand.u32 $0x1, s1  }
0x8c: {  	s17 =	sshll.u32 s0, $0xA;
	s2 =	sadd.s32 s3, s2  }
0x8d: {  	s2 =	sadd.s32 s2, s17  }
0x8e: {  	[smem:$0x3FC5] =	sst s2  }
0x8f: {  	_ = 	snop  }
0x90: {  	s2 =	sld [smem:$0x3FC8];
	(tm) =	ssettm $0x1  }
0x91: {  	s18 =	sld [smem:$0x3FFB];
	_ =	sdelay $0x3  }
0x92: {  	_ =	strace s18  }
0x93: {  	s3 =	sld [smem:$0x3FFC];
	_ =	sdelay $0x3  }
0x94: {  	_ =	strace s3  }
0x95: {  	s3 =	sld [smem:$0x3FFD];
	_ =	sdelay $0x3  }
0x96: {  	_ =	strace s3  }
0x97: {  	_ =	strace $0x8FFFFFFF  }
0x98: {  	s19 =	sld [smem:$0x3FDB];
	_ =	sdelay $0x1  }
0x99: {  	s4 =	simm.s32 $_scs_section_size  }
0x9a: {  	s5 =	simm.s32 $_size__tile_overlayer_lowered;
	s6 =	simm.s32 $_tile_overlayer_lowered  }
0x9b: {  	s22 =	simm.s32 $0x1BFF;
	s21 =	sshll.u32 s6, $0x1;
	s3 =	sadd.s32 s4, s19  }
0x9c: {  	s7 =	simm.s32 $0x0;
	s20 =	sshll.u32 s5, $0x1;
	s5 =	sadd.s32 s21, s3  }
0x9d: {  	[timem:s7], [sflag:s22] =	dma.local [hbm:s5], s20  }
0x9e: {  	_ =	swait.ge [sflag:s22], s20  }
0x9f: {  	s4 =	ssub.s32 $0x0, s20;
	[sflag:s22] =	ssyncset.done $0x0  }
0xa0: {  	[sflag:s22] =	ssyncadd.s32 s4;
	_ =	sdelay $0x1  }
0xa1: {  	s23 =	simm.s32 $0x1B8B  }
0xa2: {  	_ =	swait.ge [sflag:s23], $0x1  }
0xa3: {  	[sflag:s23] =	ssyncset.done $0x0  }
0xa4: {  	s25 =	simm.s32 $0x1B8E;
	s24 =	sld [smem:$0x3FFE];
	[sflag:s23] =	ssyncadd.s32 $0xFFFFFFFF  }
0xa5: {  	s26 =	simm.s32 $execute0_lowered;
	[smem:$0x3FD2] =	sst s25  }
0xa6: {  	s5 =	sshll.u32 s26, $0x1;
	_ =	strace $0x80000046;
	[dreg:$0x1] =	wrdreg $0xFFFFFFFF  }
0xa7: {  	s28 =	simm.s32 $_size_execute0_lowered;
	s3 =	sadd.s32 s3, s5;
	[dreg:$0x0] =	wrdreg $0x0  }
0xa8: {  	s5 =	sshll.u32 s28, $0x1;
	[dreg:$0x2] =	wrdreg s3  }
0xa9: {  	[dreg:$0x3] =	wrdreg s5  }
0xaa: {  	[dreg:$0x4] =	wrdreg $0xC0  }
0xab: {  	_ =	task [dreg:s7], $0x5FFFF  }
0xac: {  	[dreg:$0x1] =	wrdreg $0xFFFFFFFF  }
0xad: {  	[dreg:$0x0] =	wrdreg $0x60  }
0xae: {  	[dreg:$0x2] =	wrdreg s2  }
0xaf: {  	[dreg:$0x3] =	wrdreg s24  }
0xb0: {  	[dreg:$0x4] =	wrdreg $0x9  }
0xb1: {  	_ =	task.clear_ibuf [dreg:s7], $0x5FFFF;
	_ =	strace $0x90000046  }
0xb2: {  	s29 =	simm.s32 $0x9;
	_ =	strace $0x80000048  }
0xb3: {  	_ =	swait.ge [sflag:s29], $0x1  }
0xb4: {  	[sflag:s29] =	ssyncadd.s32 $0xFFFFFFFF  }
0xb5: {  	_ =	strace $0x90000048  }
0xb6: {  	_ =	sfence  }
0xb7: {  	s30 =	sld [smem:$0x0];
	_ =	sdelay $0x2  }
0xb8: {  	s31 =	sshll.u32 s1, $0xD;
	s1 =	sshrl.u32 s1, $0x2  }
0xb9: {  	s3 =	sand.u32 $0x4000, s31;
	s1 =	sadd.s32 s1, s30  }
0xba: {  	s0 =	sor.u32 s3, s0;
	s1 =	sshll.u32 s1, $0x11  }
0xbb: {  	s0 =	sor.u32 s1, s0  }
0xbc: {  	s0 =	sadd.s32 $0x8F2B, s0  }
0xbd: {  	[sflag:s0] =	ssyncadd.remote.s32 $0x1  }
0xbe: {  	_ =	sfence.sel $0xFFFF  }
0xbf: {  	[dreg:$0x0] =	wrdreg $0xFFFFFFFF;
	(pc) =	sbr.abs _section_cstart, $3  }
0xc0: {  	[dreg:$0x1] =	wrdreg $0xFFFFFFFF  }
0xc1: {  	_ =	task.clear_ibuf [dreg:s7], $0x2FFFF;
	_ =	strace $0x9FFFFFFF  }
0xc2: {  	(tm) =	ssettm $0x7FFFFFFF  }
0xc3: {  	_ =	shalt  }
tec
execute0_lowered:
.L_overlay_start_1:
0x0: {  	(tag) =	ssettag $0x1  }
0x1: {  	s1 =	srdreg.scid;
	s2 =	rddreg [dreg:$0x0]  }
0x2: {  	s0 =	stileid.u32;
	s6 =	rddreg [dreg:$0x1];
	s3 =	simm.s32 $0x0  }
0x3: {  	s8 =	simm.s32 $0x1;
	s9 =	simm.s32 $0x4000;
	s10 =	simm.s32 $0x1CC00  }
0x4: {  	s11 =	simm.s32 $0x1CE00;
	s12 =	simm.s32 $0x0;
	s5 =	sand.u32 $0x1, s1  }
.Ltmp0:
0x5: {  	s4 =	sshll.u32 s0, $0xA;
	s7 =	sshll.u32 s5, $0x9;
	(pc) =	sbr.rel .LBB2_1-.Ltmp0, $4  }
0x6: {  	s1 =	rddreg [dreg:$0x2];
	s5 =	ssub.s32 $0x2, s5;
	s4 =	sor.u32 s7, s4  }
0x7: {  	[smem:$0x7FF] =	sst s3;
	s31 =	sshrl.u32 s5, $0x1;
	s7 =	sshrl.u32 s4, $0x3  }
0x8: {  	_ =	strace $0x80000047;
	s6 =	sadd.s32 s7, s6;
	s7 =	ssub.s32 s5, s31  }
0x9: {  	v0 =	vlaneseq.u32;
	v1 =	vimm.s32 $0x0;
	vm0 =	vmmov $0x1;
	s5 =	sadd.s32 $0xC00, s6;
	s6 =	sadd.s32 $0x1400, s6;
	s7 =	smax.u32 s7, $0x1  }
.LBB2_12:
0xa: {  	v2 =	vld [tilespmem:$0x1C700]  }
0xb: {  	v3 =	vld [tilespmem:$0x1C980]  }
0xc: {  	v4 =	vld [tilespmem:$0x1C710]  }
0xd: {  	v5 =	vld [tilespmem:$0x1C990]  }
0xe: {  	v6 =	vld [tilespmem:$0x1C720]  }
0xf: {  	v29 =	vld [tilespmem:$0x1C9B0];
	[tilespmem:$0x1CC00] =	vst v2  }
0x10: {  	v30 =	vld [tilespmem:$0x1C740];
	[tilespmem:$0x1CE00] =	vst v3  }
0x11: {  	v2 =	vld [tilespmem:$0x1C9A0];
	[tilespmem:$0x1CC10] =	vst v4  }
0x12: {  	v3 =	vld [tilespmem:$0x1C730];
	[tilespmem:$0x1CE10] =	vst v5  }
0x13: {  	v31 =	vld [tilespmem:$0x1C9C0];
	[tilespmem:$0x1CC20] =	vst v6  }
0x14: {  	v32 =	vld [tilespmem:$0x1C760];
	[tilespmem:$0x1CE30] =	vst v29  }
0x15: {  	v33 =	vld [tilespmem:$0x1C9E0];
	[tilespmem:$0x1CC40] =	vst v30  }
0x16: {  	[tilespmem:$0x1CE20] =	vst v2;
	v2 =	vld [tilespmem:$0x1C750]  }
0x17: {  	[tilespmem:$0x1CC30] =	vst v3;
	v3 =	vld [tilespmem:$0x1C9D0]  }
0x18: {  	v34 =	vld [tilespmem:$0x1C770];
	[tilespmem:$0x1CE40] =	vst v31  }
0x19: {  	v35 =	vld [tilespmem:$0x1CA00];
	[tilespmem:$0x1CC60] =	vst v32  }
0x1a: {  	v36 =	vld [tilespmem:$0x1C790];
	[tilespmem:$0x1CE60] =	vst v33  }
0x1b: {  	[tilespmem:$0x1CC50] =	vst v2;
	v2 =	vld [tilespmem:$0x1C9F0]  }
0x1c: {  	[tilespmem:$0x1CE50] =	vst v3;
	v3 =	vld [tilespmem:$0x1C780]  }
0x1d: {  	v37 =	vld [tilespmem:$0x1CA10];
	[tilespmem:$0x1CC70] =	vst v34  }
0x1e: {  	v38 =	vld [tilespmem:$0x1C7B0];
	[tilespmem:$0x1CE80] =	vst v35  }
0x1f: {  	v39 =	vld [tilespmem:$0x1CA30];
	[tilespmem:$0x1CC90] =	vst v36  }
0x20: {  	[tilespmem:$0x1CE70] =	vst v2;
	v2 =	vld [tilespmem:$0x1C7A0]  }
0x21: {  	[tilespmem:$0x1CC80] =	vst v3;
	v3 =	vld [tilespmem:$0x1CA20]  }
0x22: {  	v40 =	vld [tilespmem:$0x1C7C0];
	[tilespmem:$0x1CE90] =	vst v37  }
0x23: {  	v41 =	vld [tilespmem:$0x1CA50];
	[tilespmem:$0x1CCB0] =	vst v38  }
0x24: {  	v42 =	vld [tilespmem:$0x1C7E0];
	[tilespmem:$0x1CEB0] =	vst v39  }
0x25: {  	[tilespmem:$0x1CCA0] =	vst v2;
	v2 =	vld [tilespmem:$0x1CA40]  }
0x26: {  	[tilespmem:$0x1CEA0] =	vst v3;
	v3 =	vld [tilespmem:$0x1C7D0]  }
0x27: {  	v43 =	vld [tilespmem:$0x1CA60];
	[tilespmem:$0x1CCC0] =	vst v40  }
0x28: {  	v44 =	vld [tilespmem:$0x1C800];
	[tilespmem:$0x1CED0] =	vst v41  }
0x29: {  	v45 =	vld [tilespmem:$0x1CA80];
	[tilespmem:$0x1CCE0] =	vst v42  }
0x2a: {  	[tilespmem:$0x1CEC0] =	vst v2;
	v2 =	vld [tilespmem:$0x1C7F0]  }
0x2b: {  	[tilespmem:$0x1CCD0] =	vst v3;
	v3 =	vld [tilespmem:$0x1CA70]  }
0x2c: {  	v46 =	vld [tilespmem:$0x1C810];
	[tilespmem:$0x1CEE0] =	vst v43  }
0x2d: {  	v47 =	vld [tilespmem:$0x1CAA0];
	[tilespmem:$0x1CD00] =	vst v44  }
0x2e: {  	v48 =	vld [tilespmem:$0x1C830];
	[tilespmem:$0x1CF00] =	vst v45  }
0x2f: {  	[tilespmem:$0x1CCF0] =	vst v2;
	v2 =	vld [tilespmem:$0x1CA90]  }
0x30: {  	[tilespmem:$0x1CEF0] =	vst v3;
	v3 =	vld [tilespmem:$0x1C820]  }
0x31: {  	v49 =	vld [tilespmem:$0x1CAB0];
	[tilespmem:$0x1CD10] =	vst v46  }
0x32: {  	v50 =	vld [tilespmem:$0x1C850];
	[tilespmem:$0x1CF20] =	vst v47  }
0x33: {  	v51 =	vld [tilespmem:$0x1CAD0];
	[tilespmem:$0x1CD30] =	vst v48  }
0x34: {  	[tilespmem:$0x1CF10] =	vst v2;
	v2 =	vld [tilespmem:$0x1C840]  }
0x35: {  	[tilespmem:$0x1CD20] =	vst v3;
	v3 =	vld [tilespmem:$0x1CAC0]  }
0x36: {  	v52 =	vld [tilespmem:$0x1C860];
	[tilespmem:$0x1CF30] =	vst v49  }
0x37: {  	v53 =	vld [tilespmem:$0x1CAF0];
	[tilespmem:$0x1CD50] =	vst v50  }
0x38: {  	v54 =	vld [tilespmem:$0x1C880];
	[tilespmem:$0x1CF50] =	vst v51  }
0x39: {  	[tilespmem:$0x1CD40] =	vst v2;
	v2 =	vld [tilespmem:$0x1CAE0]  }
0x3a: {  	[tilespmem:$0x1CF40] =	vst v3;
	v3 =	vld [tilespmem:$0x1C870]  }
0x3b: {  	v55 =	vld [tilespmem:$0x1CB00];
	[tilespmem:$0x1CD60] =	vst v52  }
0x3c: {  	v56 =	vld [tilespmem:$0x1C8A0];
	[tilespmem:$0x1CF70] =	vst v53  }
0x3d: {  	v57 =	vld [tilespmem:$0x1CB20];
	[tilespmem:$0x1CD80] =	vst v54  }
0x3e: {  	[tilespmem:$0x1CF60] =	vst v2;
	v2 =	vld [tilespmem:$0x1C890]  }
0x3f: {  	[tilespmem:$0x1CD70] =	vst v3;
	v3 =	vld [tilespmem:$0x1CB10]  }
0x40: {  	v58 =	vld [tilespmem:$0x1C8B0];
	[tilespmem:$0x1CF80] =	vst v55  }
0x41: {  	v59 =	vld [tilespmem:$0x1CB40];
	[tilespmem:$0x1CDA0] =	vst v56  }
0x42: {  	v60 =	vld [tilespmem:$0x1C8D0];
	[tilespmem:$0x1CFA0] =	vst v57  }
0x43: {  	[tilespmem:$0x1CD90] =	vst v2;
	v2 =	vld [tilespmem:$0x1CB30]  }
0x44: {  	[tilespmem:$0x1CF90] =	vst v3;
	v3 =	vld [tilespmem:$0x1C8C0]  }
0x45: {  	v61 =	vld [tilespmem:$0x1CB50];
	[tilespmem:$0x1CDB0] =	vst v58  }
0x46: {  	v62 =	vld [tilespmem:$0x1C8F0];
	[tilespmem:$0x1CFC0] =	vst v59  }
0x47: {  	v63 =	vld [tilespmem:$0x1CB70];
	[tilespmem:$0x1CDD0] =	vst v60  }
0x48: {  	[tilespmem:$0x1CFB0] =	vst v2;
	v2 =	vld [tilespmem:$0x1C8E0]  }
0x49: {  	[tilespmem:$0x1CDC0] =	vst v3;
	v3 =	vld [tilespmem:$0x1CB60]  }
0x4a: {  	[tilespmem:$0x1CFD0] =	vst v61  }
0x4b: {  	[tilespmem:$0x1CDF0] =	vst v62  }
0x4c: {  	[tilespmem:$0x1CFF0] =	vst v63  }
0x4d: {  	[tilespmem:$0x1CDE0] =	vst v2  }
0x4e: {  	[tilespmem:$0x1CFE0] =	vst v3  }
0x4f: {  	[hbm4b:s5+s3] =	stream.linear.scatter [tilespmem:s10], [sflag:$0x1], $0x200, $0x38;
	[tilespmem:$0x1D000] =	vst v63  }
0x50: {  	s12 =	sadd.s32 $0x1, s12;
	_ =	swait.ge [sflag:s8], $0x200  }
0x51: {  	p0 =	sne.s32 s12, s7;
	[sflag:s8] =	ssyncset.done $0x0  }
.Ltmp1:
0x52: {  	[sflag:s8] =	ssyncadd.s32 $0xFFFFFE00;
	(pc) =	sbr.rel @!p0 .LBB2_13-.Ltmp1, $4  }
0x53: {  	[hbm4b:s6+s3] =	stream.linear.scatter [tilespmem:s11], [sflag:$0x1], $0x200, $0x38;
	[tilespmem:$0x1D000] =	vst v63  }
0x54: {  	_ =	swait.ge [sflag:s8], $0x200  }
0x55: {  	[sflag:s8] =	ssyncset.done $0x0  }
0x56: {  	[sflag:s8] =	ssyncadd.s32 $0xFFFFFE00  }
.LBB2_1:
0x57: {  	[tilespmem:s3], [sflag:$0x1] =	stream.linear.gather [hbm4b:s2+s3], $0x4000, $0x38;
	[tilespmem:$0x1D000] =	vst v63  }
0x58: {  	_ =	swait.ge [sflag:s8], $0x4000  }
0x59: {  	s14 =	simm.s32 $0x20;
	[sflag:s8] =	ssyncset.done $0x0  }
0x5a: {  	s15 =	simm.s32 $0x20;
	s16 =	simm.s32 $0x0;
	[sflag:s8] =	ssyncadd.s32 $0xFFFFC000  }
.LBB2_2:
0x5b: {  	v2 =	vld [tilespmem:s15+$0xFFFFFFE0];
	_ =	sdelay $0x6  }
0x5c: {  	v3 =	vor.u32 s16, v0  }
0x5d: {  	[tilespmem:v2+s9+$0x0] =	vst.idx.msk $0xffff, v3  }
0x5e: {  	v2 =	vld [tilespmem:s15+$0xFFFFFFF0];
	_ =	sdelay $0x5  }
0x5f: {  	s13 =	sadd.s32 $0x10, s16  }
0x60: {  	v3 =	vor.u32 s13, v0  }
0x61: {  	[tilespmem:v2+s9+$0x0] =	vst.idx.msk $0xffff, v3  }
0x62: {  	v2 =	vld [tilespmem:s15+$0x0];
	_ =	sdelay $0x5  }
0x63: {  	s30 =	sadd.s32 $0x20, s16  }
0x64: {  	v3 =	vor.u32 s30, v0  }
0x65: {  	[tilespmem:v2+s9+$0x0] =	vst.idx.msk $0xffff, v3  }
0x66: {  	v2 =	vld [tilespmem:s15+$0x10];
	_ =	sdelay $0x2  }
0x67: {  	p0 =	sne.s32 s16, $0x3FC0  }
.Ltmp2:
0x68: {  	_ = 	snop;
	(pc) =	sbr.rel @p0 .LBB2_2-.Ltmp2, $4  }
0x69: {  	_ = 	snop  }
0x6a: {  	s31 =	sadd.s32 $0x30, s16  }
0x6b: {  	v3 =	vor.u32 s31, v0  }
0x6c: {  	s16 =	sadd.s32 $0x40, s16;
	s13 =	simm.s32 $0x0;
	s15 =	sadd.s32 $0x40, s15;
	[tilespmem:v2+s9+$0x0] =	vst.idx.msk $0xffff, v3  }
0x6d: {  	s15 =	simm.s32 $0x0  }
.LBB2_4:
0x6e: {  	v2 =	vld [tilespmem:s14+$0xFFFFFFE0];
	_ =	sdelay $0x7  }
0x6f: {  	v3 =	vld.idx.msk [tilespmem:v2+s9+$0x0], $0xffff;
	_ =	sdelay $0x3  }
0x70: {  	v4 =	vor.u32 s15, v0  }
0x71: {  	vm1 =	vlt.s32 v3, v4;
	_ =	sdelay $0x5  }
0x72: {  	[tilespmem:v2+s9+$0x0] =	vst.idx.msk vm1, v4  }
0x73: {  	v2 =	vld [tilespmem:s14+$0xFFFFFFF0];
	_ =	sdelay $0x7  }
0x74: {  	v3 =	vld.idx.msk [tilespmem:v2+s9+$0x0], $0xffff;
	_ =	sdelay $0x2  }
0x75: {  	s16 =	sadd.s32 $0x10, s15  }
0x76: {  	v61 =	vor.u32 s16, v0  }
0x77: {  	vm1 =	vlt.s32 v3, v61;
	_ =	sdelay $0x5  }
0x78: {  	[tilespmem:v2+s9+$0x0] =	vst.idx.msk vm1, v61  }
0x79: {  	v2 =	vld [tilespmem:s14+$0x0];
	_ =	sdelay $0x7  }
0x7a: {  	v3 =	vld.idx.msk [tilespmem:v2+s9+$0x0], $0xffff;
	_ =	sdelay $0x2  }
0x7b: {  	s30 =	sadd.s32 $0x20, s15  }
0x7c: {  	v62 =	vor.u32 s30, v0  }
0x7d: {  	vm1 =	vlt.s32 v3, v62;
	_ =	sdelay $0x5  }
0x7e: {  	[tilespmem:v2+s9+$0x0] =	vst.idx.msk vm1, v62  }
0x7f: {  	v2 =	vld [tilespmem:s14+$0x10];
	_ =	sdelay $0x7  }
0x80: {  	v3 =	vld.idx.msk [tilespmem:v2+s9+$0x0], $0xffff;
	_ =	sdelay $0x2  }
0x81: {  	s31 =	sadd.s32 $0x30, s15  }
0x82: {  	v63 =	vor.u32 s31, v0  }
0x83: {  	vm1 =	vlt.s32 v3, v63  }
0x84: {  	p0 =	sne.s32 s15, $0x3FC0  }
.Ltmp3:
0x85: {  	_ = 	snop;
	(pc) =	sbr.rel @p0 .LBB2_4-.Ltmp3, $2  }
0x86: {  	_ =	sdelay $0x2  }
0x87: {  	s15 =	sadd.s32 $0x40, s15;
	s14 =	sadd.s32 $0x40, s14;
	[tilespmem:v2+s9+$0x0] =	vst.idx.msk vm1, v63  }
0x88: {  	s14 =	simm.s32 $0x20  }
.LBB2_6:
0x89: {  	v2 =	vld [tilespmem:s14+$0xFFFFFFE0];
	_ =	sdelay $0x7  }
0x8a: {  	v3 =	vld.idx.msk [tilespmem:v2+s9+$0x0], $0xffff;
	_ =	sdelay $0x3  }
0x8b: {  	v4 =	vor.u32 s13, v0  }
0x8c: {  	vm1 =	vlt.s32 v3, v4;
	_ =	sdelay $0x5  }
0x8d: {  	[tilespmem:v2+s9+$0x0] =	vst.idx.msk vm1, v4  }
0x8e: {  	v2 =	vld [tilespmem:s14+$0xFFFFFFF0];
	_ =	sdelay $0x7  }
0x8f: {  	v3 =	vld.idx.msk [tilespmem:v2+s9+$0x0], $0xffff;
	_ =	sdelay $0x2  }
0x90: {  	s15 =	sadd.s32 $0x10, s13  }
0x91: {  	v61 =	vor.u32 s15, v0  }
0x92: {  	vm1 =	vlt.s32 v3, v61;
	_ =	sdelay $0x5  }
0x93: {  	[tilespmem:v2+s9+$0x0] =	vst.idx.msk vm1, v61  }
0x94: {  	v2 =	vld [tilespmem:s14+$0x0];
	_ =	sdelay $0x7  }
0x95: {  	v3 =	vld.idx.msk [tilespmem:v2+s9+$0x0], $0xffff;
	_ =	sdelay $0x2  }
0x96: {  	s30 =	sadd.s32 $0x20, s13  }
0x97: {  	v62 =	vor.u32 s30, v0  }
0x98: {  	vm1 =	vlt.s32 v3, v62;
	_ =	sdelay $0x5  }
0x99: {  	[tilespmem:v2+s9+$0x0] =	vst.idx.msk vm1, v62  }
0x9a: {  	v2 =	vld [tilespmem:s14+$0x10];
	_ =	sdelay $0x7  }
0x9b: {  	v3 =	vld.idx.msk [tilespmem:v2+s9+$0x0], $0xffff;
	_ =	sdelay $0x2  }
0x9c: {  	s31 =	sadd.s32 $0x30, s13  }
0x9d: {  	v63 =	vor.u32 s31, v0  }
0x9e: {  	vm1 =	vlt.s32 v3, v63  }
0x9f: {  	p0 =	sne.s32 s13, $0x3FC0  }
.Ltmp4:
0xa0: {  	_ = 	snop;
	(pc) =	sbr.rel @p0 .LBB2_6-.Ltmp4, $2  }
0xa1: {  	_ =	sdelay $0x2  }
0xa2: {  	s13 =	sadd.s32 $0x40, s13;
	s14 =	sadd.s32 $0x40, s14;
	[tilespmem:v2+s9+$0x0] =	vst.idx.msk vm1, v63  }
0xa3: {  	s13 =	simm.s32 $0x0;
	s14 =	sadd.s32 $0x0, s4  }
0xa4: {  	s15 =	sand.u32 $0x3F80, s14;
	s16 =	sand.u32 $0x70, s13  }
0xa5: {  	s15 =	sor.u32 s16, s15  }
0xa6: {  	v2 =	vld [tilespmem:s15+$0x0];
	_ =	sdelay $0x7  }
0xa7: {  	v4 =	vld.idx.msk [tilespmem:v2+s9+$0x0], $0xffff;
	_ =	sdelay $0x3  }
0xa8: {  	v3 =	vor.u32 s14, v0  }
0xa9: {  	vm1 =	veq.s32 v4, v3  }
0xaa: {  	v4 =	vsel vm1, $0x1, v1  }
0xab: {  	(xrf0) =	vadd.scan.msk.s32 $0xffff, v4;
	_ =	sdelay $0x1  }
0xac: {  	s14 =	sadd.s32 $0x10, s4;
	s16 =	simm.s32 $0x20;
	s15 =	simm.s32 $0x10  }
.LBB2_8:
0xad: {  	p0 =	sne.s32 s16, $0x1F0;
	s17 =	sand.u32 $0x3F80, s14;
	s15 =	sand.u32 $0x70, s15;
	[tilespmem:s13+$0x1C700] =	vst.msk vm1, v2  }
0xae: {  	s17 =	sor.u32 s15, s17;
	[tilespmem:s13+$0x1C980] =	vst.msk vm1, v3;
	s15 =	smov.u32 s16  }
0xaf: {  	v2 =	vld [tilespmem:s17+$0x0]  }
0xb0: {  	v3, _, _ =	vpop (xrf0)  }
0xb1: {  	(v2sf) =	vpush v3, $0xF;
	_ =	sdelay $0x5  }
0xb2: {  	v4 =	vld.idx.msk [tilespmem:v2+s9+$0x0], $0xffff;
	_ =	sdelay $0x4  }
0xb3: {  	v3 =	vor.u32 s14, v0  }
.Ltmp5:
0xb4: {  	vm1 =	veq.s32 v4, v3;
	(pc) =	sbr.rel @p0 .LBB2_8-.Ltmp5, $4  }
0xb5: {  	v4 =	vsel vm1, $0x1, v1  }
0xb6: {  	(xrf0) =	vadd.scan.msk.s32 $0xffff, v4  }
0xb7: {  	s17 =	spop (v2sf)  }
0xb8: {  	s16 =	sadd.s32 $0x10, s16;
	s14 =	sadd.s32 s15, s4;
	s13 =	sadd.s32 s13, s17  }
0xb9: {  	s16 =	sand.u32 $0x3F80, s14;
	s15 =	sand.u32 $0x70, s15;
	[tilespmem:s13+$0x1C700] =	vst.msk vm1, v2  }
0xba: {  	s15 =	sor.u32 s15, s16;
	[tilespmem:s13+$0x1C980] =	vst.msk vm1, v3  }
0xbb: {  	v2 =	vld [tilespmem:s15+$0x0];
	_ =	sdelay $0x7  }
0xbc: {  	v4 =	vld.idx.msk [tilespmem:v2+s9+$0x0], $0xffff;
	_ =	sdelay $0x2  }
0xbd: {  	v3, _, _ =	vpop (xrf0)  }
0xbe: {  	(v2sf) =	vpush v3, $0xF;
	v3 =	vor.u32 s14, v0  }
0xbf: {  	vm1 =	veq.s32 v4, v3  }
0xc0: {  	v4 =	vsel vm1, $0x1, v1  }
0xc1: {  	(xrf0) =	vadd.scan.msk.s32 $0xffff, v4;
	_ =	sdelay $0x5  }
0xc2: {  	v4, _, _ =	vpop (xrf0)  }
0xc3: {  	(v2sf) =	vpush v4, $0xF;
	_ =	sdelay $0x5  }
0xc4: {  	s26 =	spop (v2sf)  }
0xc5: {  	s28 =	sadd.s32 s13, s26  }
0xc6: {  	[tilespmem:s28+$0x1C700] =	vst.msk vm1, v2  }
0xc7: {  	[tilespmem:s28+$0x1C980] =	vst.msk vm1, v3  }
0xc8: {  	v2 =	vld [tilespmem:s4+$0x0];
	_ =	sdelay $0x4  }
0xc9: {  	s29 =	spop (v2sf)  }
0xca: {  	s13 =	sadd.s32 s28, s29  }
0xcb: {  	s15 =	simm.s32 $0x1;
	s14 =	ssub.s32 $0x20F, s13;
	p0 =	sne.s32 s13, $0x20F  }
0xcc: {  	v3 =	vld.idx.msk [tilespmem:v2+s9+$0x0], $0xffff;
	s30 =	sshra.s32 s14, $0x1F;
	s15 =	simm.s32 @!p0 $0x0  }
0xcd: {  	s17 =	sand.u32 $0xF, s14;
	s15 =	sor.u32 s15, s30  }
0xce: {  	p1 =	sne.s32 s17, $0x0;
	p6 =	sne.s32 s15, $0x1  }
0xcf: {  	s31 =	sshrl.u32 s30, $0x1C;
	p0 =	por !p1, !p6  }
0xd0: {  	v2 =	vnsel vm0, $0x0, v2;
	s14 =	sadd.s32 s31, s14;
	s15 =	simm.s32 $0x1;
	p0 =	por !p0, !p0  }
0xd1: {  	(xrf0) =	vadd.scan.msk.s32 $0xffff, v2;
	v2 =	vnsel vm0, $0x0, v3;
	s14 =	sshra.s32 s14, $0x4;
	s15 =	simm.s32 @!p0 $0x0  }
0xd2: {  	(xrf0) =	vadd.scan.msk.s32 $0xffff, v2;
	s14 =	ssub.s32 s14, s15  }
0xd3: {  	p0 =	slt.s32 s14, $0x1  }
.Ltmp6:
0xd4: {  	_ = 	snop;
	(pc) =	sbr.rel @p0 .LBB2_12-.Ltmp6, $3  }
0xd5: {  	_ =	sdelay $0x1  }
0xd6: {  	v2, _, _ =	vpop (xrf0)  }
0xd7: {  	v3, _, _ =	vpop (xrf0)  }
0xd8: {  	p0 =	sne.s32 s14, $0x1  }
.Ltmp7:
0xd9: {  	s13 =	sshll.u32 s13, $0x2;
	(pc) =	sbr.rel @!p0 .LBB2_12-.Ltmp7, $4  }
0xda: {  	v2 =	vbroadcast v2, $0xF;
	s13 =	sshra.s32 s13, $0x2  }
0xdb: {  	v3 =	vbroadcast v3, $0xF;
	s15 =	sadd.s32 $0x1C700, s13  }
0xdc: {  	s13 =	sadd.s32 $0x1C980, s13;
	[tilespmem:s15+$0x0] =	vst v2  }
0xdd: {  	s14 =	sadd.s32 $0xFFFFFFFF, s14;
	s15 =	sadd.s32 $0x10, s15;
	[tilespmem:s13+$0x0] =	vst v3  }
.LBB2_11:
0xde: {  	[tilespmem:s15+$0x0] =	vst v2;
	s13 =	sadd.s32 $0x10, s13;
	p0 =	sne.s32 s14, $0x1  }
.Ltmp8:
0xdf: {  	s14 =	sadd.s32 $0xFFFFFFFF, s14;
	[tilespmem:s13+$0x0] =	vst v3;
	(pc) =	sbr.rel @p0 .LBB2_11-.Ltmp8, $2  }
0xe0: {  	_ =	sdelay $0x2  }
0xe1: {  	s15 =	sadd.s32 $0x10, s15  }
.Ltmp9:
0xe2: {  	_ = 	snop;
	(pc) =	sbr.rel .LBB2_12-.Ltmp9, $1  }
0xe3: {  	_ =	sdelay $0x3  }
.LBB2_13:
0xe4: {  	_ =	sfence.sel $0x180000  }
0xe5: {  	[bflag:$0x0] =	sbarrier.arrive $0xFFFF  }
0xe6: {  	p0 =	sne.s32 s0, $0x0;
	_ =	strace $0x90000047  }
0xe7: {  	s0 =	sadd.s32 @!p0 $0x100000, s1;
	[bflag:$0x2] =	sbarrier.arrive $0xFFFF  }
0xe8: {  	[sflag:s0] =	ssyncadd.tile.s32 @!p0 $0x1;
	_ =	shalt  }
.Lfunc_end2:
_tile_overlayer_lowered:
.L_overlay_start_2:
0xe9: {  	(tag) =	ssettag $0x2  }
0xea: {  	s0 =	rddreg [dreg:$0x0];
	s2 =	stileid.u32  }
0xeb: {  	s1 =	rddreg [dreg:$0x1];
	p0 =	sne.s32 s2, $0x0  }
0xec: {  	s3 =	rddreg [dreg:$0x2];
	[bflag:$0x3] =	sbarrier.arrive $0xFFFF;
	s2 =	simm.s32 @!p0 $0x1C01  }
0xed: {  	[timem:s3], [sflag:s2] =	dma.local @!p0 [hbm:s0], s1  }
0xee: {  	s0 =	simm.s32 @!p0 $0x1  }
0xef: {  	_ =	swait.ge @!p0 [sflag:s0], s1  }
0xf0: {  	s1 =	ssub.s32 @!p0 $0x0, s1;
	[sflag:s0] =	ssyncset.done @!p0 $0x0  }
0xf1: {  	[sflag:s0] =	ssyncadd.s32 @!p0 s1  }
0xf2: {  	[bflag:$0x3] =	sbarrier.arrive $0xFFFF  }
0xf3: {  	_ =	shalt  }

// kernel: kernel.7.cloned.1.call-start
scs
__scs_entry_jumppad:
0x0: {  	(pc) =	sbr.rel $0x88, $3  }
0x1: {  	(tag) =	ssettag $0x0;
	lr =	simm.s32 $0x1  }
0x2: {  	[smem:$0x3F9E] =	sst lr;
	_ =	strace $0xD0000000  }
0x3: {  	_ = 	snop  }
0x4: {  	_ = 	snop  }
0x5: {  	_ = 	snop  }
0x6: {  	_ = 	snop  }
0x7: {  	_ = 	snop  }
__scs_overlays_trampoline_lowered:
0x8: {  	[smem:$0x3FAD] =	sst s0  }
0x9: {  	[smem:$0x3FAE] =	sst s1  }
0xa: {  	[smem:$0x3FAF] =	sst s2  }
0xb: {  	[smem:$0x3FB0] =	sst s3  }
0xc: {  	[smem:$0x3FB1] =	sst s4  }
0xd: {  	[smem:$0x3FB2] =	sst s5  }
0xe: {  	[smem:$0x3FB3] =	sst s6  }
0xf: {  	[smem:$0x3FB4] =	sst s7  }
0x10: {  	[smem:$0x3FB5] =	sst s8  }
0x11: {  	[smem:$0x3FB6] =	sst s9;
	s0 =	simm.s32 @!p0 $0x0  }
0x12: {  	s1 =	sld [smem:$0x3F9C];
	s0 =	simm.s32 @p0 $0x1  }
0x13: {  	[smem:$0x3FB7] =	sst s0;
	s0 =	simm.s32 @!p1 $0x0  }
0x14: {  	s2 =	sld [smem:$0x3F9B];
	s0 =	simm.s32 @p1 $0x1  }
0x15: {  	[smem:$0x3FB8] =	sst s0;
	s0 =	simm.s32 @!p2 $0x0  }
0x16: {  	s3 =	sld [smem:$0x3FDB];
	s0 =	simm.s32 @p2 $0x1  }
0x17: {  	s4 =	simm.s32 $0x1BF5;
	[smem:$0x3FBA] =	sst s0  }
0x18: {  	s0 =	sld [smem:$0x3F9D];
	_ =	swait.ge [sflag:s4], $0x0  }
0x19: {  	s7 =	sld [smem:$0x3F9E]  }
0x1a: {  	s8 =	sadd.s32 $0xFFFFE003, lr  }
0x1b: {  	s9 =	sadd.s32 $0xFFFFFEF7, lr;
	s5 =	simm.s32 $0xFFFFFFFF;
	p2 =	slt.u32 s8, $0xFFFFF086  }
0x1c: {  	p1 =	slt.u32 s9, $0xF7A;
	s5 =	simm.s32 @!p2 $0x0  }
0x1d: {  	s5 =	simm.s32 @p1 $0x1;
	p0 =	seq.s32 s7, s2  }
0x1e: {  	s7 =	smul.u32 @!p0 $0xF7A, s2;
	p2 =	seq.s32 @!p0 s5, $0x0  }
0x1f: {  	s9 =	smul.u32 $0xF7A, s1;
	s8 =	simm.s32 @!p0 $0x1BF5;
	p2 =	por !p2, p0  }
0x20: {  	[sflag:s8] =	ssyncset.s32 @!p0 $0xFFFFF086;
	s6 =	sadd.s32 @!p0 s3, s7;
	s7 =	simm.s32 @!p0 $0x108  }
0x21: {  	s3 =	sadd.s32 s3, s9;
	s6 =	sadd.s32 @!p0 $0x88, s6;
	s7 =	simm.s32 @p2 $0x1082  }
0x22: {  	[simem:s7], [sflag:s8] =	dma.local @!p0 [hbm:s6], $0xF7A  }
0x23: {  	s9 =	sor.u32 $0xD0000000, s2;
	s6 =	simm.s32 $0x108;
	_ =	swait.ge @!p0 [sflag:s8], $0x0  }
0x24: {  	s3 =	sadd.s32 $0x88, s3;
	s6 =	simm.s32 @!p1 $0x1082;
	[sflag:s4] =	ssyncset.s32 $0xFFFFF086  }
0x25: {  	[simem:s6], [sflag:s4] =	dma.local [hbm:s3], $0xF7A  }
0x26: {  	[smem:$0x3F9E] =	sst s1;
	(tag) =	ssettag s2;
	_ =	strace s9  }
0x27: {  	s1 =	sld [smem:$0x3FAE]  }
0x28: {  	s2 =	sld [smem:$0x3FAF]  }
0x29: {  	s4 =	sld [smem:$0x3FB1]  }
0x2a: {  	p0 =	seq.s32 s5, $0x0;
	s5 =	sld [smem:$0x3FB2]  }
0x2b: {  	s6 =	sld [smem:$0x3FB3]  }
0x2c: {  	s7 =	sld [smem:$0x3FB4]  }
0x2d: {  	s3 =	simm.s32 $0x108;
	s8 =	sld [smem:$0x3FB5]  }
0x2e: {  	s3 =	simm.s32 @!p0 $0x1082;
	s9 =	sld [smem:$0x3FB6]  }
0x2f: {  	lr =	sadd.s32 s0, s3;
	s0 =	sld [smem:$0x3FAD]  }
0x30: {  	s3 =	sld [smem:$0x3FB0]  }
0x31: {  	[smem:$0x3FB9] =	sst s10  }
0x32: {  	s10 =	sld [smem:$0x3FB7];
	_ =	sdelay $0x3  }
0x33: {  	p0 =	seq.s32 s10, $0x1;
	s10 =	sld [smem:$0x3FB9];
	_ =	sdelay $0x3  }
0x34: {  	[smem:$0x3FB9] =	sst s10  }
0x35: {  	s10 =	sld [smem:$0x3FB8];
	_ =	sdelay $0x3  }
0x36: {  	p1 =	seq.s32 s10, $0x1;
	s10 =	sld [smem:$0x3FB9];
	_ =	sdelay $0x3  }
0x37: {  	[smem:$0x3FB9] =	sst s10  }
0x38: {  	s10 =	sld [smem:$0x3FBA]  }
0x39: {  	_ = 	snop;
	(pc) =	sbr.ind lr, $3  }
0x3a: {  	_ = 	snop  }
0x3b: {  	_ = 	snop  }
0x3c: {  	p2 =	seq.s32 s10, $0x1;
	s10 =	sld [smem:$0x3FB9]  }
0x3d: {  	_ =	shalt  }
0x3e: {  	_ =	shalt  }
0x3f: {  	_ =	shalt  }
0x40: {  	_ =	shalt  }
0x41: {  	_ =	shalt  }
0x42: {  	_ =	shalt  }
0x43: {  	_ =	shalt  }
0x44: {  	_ =	shalt  }
0x45: {  	_ =	shalt  }
0x46: {  	_ =	shalt  }
0x47: {  	_ =	shalt  }
0x48: {  	_ =	shalt  }
0x49: {  	_ =	shalt  }
0x4a: {  	_ =	shalt  }
0x4b: {  	_ =	shalt  }
0x4c: {  	_ =	shalt  }
0x4d: {  	_ =	shalt  }
0x4e: {  	_ =	shalt  }
0x4f: {  	_ =	shalt  }
0x50: {  	_ =	shalt  }
0x51: {  	_ =	shalt  }
0x52: {  	_ =	shalt  }
0x53: {  	_ =	shalt  }
0x54: {  	_ =	shalt  }
0x55: {  	_ =	shalt  }
0x56: {  	_ =	shalt  }
0x57: {  	_ =	shalt  }
0x58: {  	_ =	shalt  }
0x59: {  	_ =	shalt  }
0x5a: {  	_ =	shalt  }
0x5b: {  	_ =	shalt  }
0x5c: {  	_ =	shalt  }
0x5d: {  	_ =	shalt  }
0x5e: {  	_ =	shalt  }
0x5f: {  	_ =	shalt  }
0x60: {  	_ =	shalt  }
0x61: {  	_ =	shalt  }
0x62: {  	_ =	shalt  }
0x63: {  	_ =	shalt  }
0x64: {  	_ =	shalt  }
0x65: {  	_ =	shalt  }
0x66: {  	_ =	shalt  }
0x67: {  	_ =	shalt  }
0x68: {  	_ =	shalt  }
0x69: {  	_ =	shalt  }
0x6a: {  	_ =	shalt  }
0x6b: {  	_ =	shalt  }
0x6c: {  	_ =	shalt  }
0x6d: {  	_ =	shalt  }
0x6e: {  	_ =	shalt  }
0x6f: {  	_ =	shalt  }
0x70: {  	_ =	shalt  }
0x71: {  	_ =	shalt  }
0x72: {  	_ =	shalt  }
0x73: {  	_ =	shalt  }
0x74: {  	_ =	shalt  }
0x75: {  	_ =	shalt  }
0x76: {  	_ =	shalt  }
0x77: {  	_ =	shalt  }
0x78: {  	_ =	shalt  }
0x79: {  	_ =	shalt  }
0x7a: {  	_ =	shalt  }
0x7b: {  	_ =	shalt  }
0x7c: {  	_ =	shalt  }
0x7d: {  	_ =	shalt  }
0x7e: {  	_ =	shalt  }
0x7f: {  	_ =	shalt  }
0x80: {  	_ =	shalt  }
0x81: {  	_ =	shalt  }
0x82: {  	_ =	shalt  }
0x83: {  	_ =	shalt  }
0x84: {  	_ =	shalt  }
0x85: {  	_ =	shalt  }
0x86: {  	_ =	shalt  }
0x87: {  	_ =	shalt  }
.Lfunc_end0:
.L_simem_size_0:
called_computation.1_lowered:
.L_overlay_start_0:
0x88: {  	s2 =	sld [smem:$0x3FD9]  }
0x89: {  	s3 =	sld [smem:$0x3FFE];
	_ =	sdelay $0x1  }
0x8a: {  	s1 =	srdreg.scid  }
0x8b: {  	s0 =	sand.u32 $0x1, s1  }
0x8c: {  	s17 =	sshll.u32 s0, $0xA;
	s2 =	sadd.s32 s3, s2  }
0x8d: {  	s2 =	sadd.s32 s2, s17  }
0x8e: {  	[smem:$0x3FC5] =	sst s2  }
0x8f: {  	_ = 	snop  }
0x90: {  	s2 =	sld [smem:$0x3FC7]  }
0x91: {  	s18 =	sld [smem:$0x3FD0];
	(tm) =	ssettm $0x1  }
0x92: {  	s4 =	sld [smem:$0x3FFB];
	_ =	sdelay $0x3  }
0x93: {  	_ =	strace s4  }
0x94: {  	s4 =	sld [smem:$0x3FFC];
	_ =	sdelay $0x3  }
0x95: {  	_ =	strace s4  }
0x96: {  	s4 =	sld [smem:$0x3FFD];
	_ =	sdelay $0x3  }
0x97: {  	_ =	strace s4  }
0x98: {  	_ =	strace $0x8FFFFFFF  }
0x99: {  	s19 =	sld [smem:$0x3FDB];
	_ =	sdelay $0x1  }
0x9a: {  	s5 =	simm.s32 $_scs_section_size  }
0x9b: {  	s6 =	simm.s32 $_size__tile_overlayer_lowered;
	s7 =	simm.s32 $_tile_overlayer_lowered  }
0x9c: {  	s22 =	simm.s32 $0x1BFF;
	s21 =	sshll.u32 s7, $0x1;
	s4 =	sadd.s32 s5, s19  }
0x9d: {  	s8 =	simm.s32 $0x0;
	s20 =	sshll.u32 s6, $0x1;
	s6 =	sadd.s32 s21, s4  }
0x9e: {  	[timem:s8], [sflag:s22] =	dma.local [hbm:s6], s20  }
0x9f: {  	_ =	swait.ge [sflag:s22], s20  }
0xa0: {  	s5 =	ssub.s32 $0x0, s20;
	[sflag:s22] =	ssyncset.done $0x0  }
0xa1: {  	[sflag:s22] =	ssyncadd.s32 s5;
	_ =	sdelay $0x1  }
0xa2: {  	s23 =	simm.s32 $0x1B8B  }
0xa3: {  	_ =	swait.ge [sflag:s23], $0x1  }
0xa4: {  	[sflag:s23] =	ssyncset.done $0x0  }
0xa5: {  	s25 =	simm.s32 $0x1B8E;
	s24 =	sld [smem:$0x3FFE];
	[sflag:s23] =	ssyncadd.s32 $0xFFFFFFFF  }
0xa6: {  	s26 =	simm.s32 $execute0_lowered;
	[smem:$0x3FD2] =	sst s25  }
0xa7: {  	s6 =	sshll.u32 s26, $0x1;
	_ =	strace $0x80000049;
	[dreg:$0x1] =	wrdreg $0xFFFFFFFF  }
0xa8: {  	s28 =	simm.s32 $_size_execute0_lowered;
	s4 =	sadd.s32 s4, s6;
	[dreg:$0x0] =	wrdreg $0x0  }
0xa9: {  	s6 =	sshll.u32 s28, $0x1;
	[dreg:$0x2] =	wrdreg s4  }
0xaa: {  	[dreg:$0x3] =	wrdreg s6  }
0xab: {  	[dreg:$0x4] =	wrdreg $0xC0  }
0xac: {  	_ =	task [dreg:s8], $0x5FFFF  }
0xad: {  	[dreg:$0x1] =	wrdreg $0xFFFFFFFF  }
0xae: {  	[dreg:$0x0] =	wrdreg $0x60  }
0xaf: {  	[dreg:$0x2] =	wrdreg s24  }
0xb0: {  	[dreg:$0x3] =	wrdreg s2  }
0xb1: {  	[dreg:$0x4] =	wrdreg s18  }
0xb2: {  	[dreg:$0x5] =	wrdreg $0x9  }
0xb3: {  	_ =	task.clear_ibuf [dreg:s8], $0x6FFFF;
	_ =	strace $0x90000049  }
0xb4: {  	s29 =	simm.s32 $0x9;
	_ =	strace $0x8000004B  }
0xb5: {  	_ =	swait.ge [sflag:s29], $0x1  }
0xb6: {  	[sflag:s29] =	ssyncadd.s32 $0xFFFFFFFF  }
0xb7: {  	_ =	strace $0x9000004B  }
0xb8: {  	_ =	sfence  }
0xb9: {  	s30 =	sld [smem:$0x0];
	_ =	sdelay $0x2  }
0xba: {  	s31 =	sshll.u32 s1, $0xD;
	s1 =	sshrl.u32 s1, $0x2  }
0xbb: {  	s3 =	sand.u32 $0x4000, s31;
	s1 =	sadd.s32 s1, s30  }
0xbc: {  	s0 =	sor.u32 s3, s0;
	s1 =	sshll.u32 s1, $0x11  }
0xbd: {  	s0 =	sor.u32 s1, s0  }
0xbe: {  	s0 =	sadd.s32 $0x8F2B, s0  }
0xbf: {  	[sflag:s0] =	ssyncadd.remote.s32 $0x1  }
0xc0: {  	_ =	sfence.sel $0xFFFF  }
0xc1: {  	[dreg:$0x0] =	wrdreg $0xFFFFFFFF;
	(pc) =	sbr.abs _section_cstart, $3  }
0xc2: {  	[dreg:$0x1] =	wrdreg $0xFFFFFFFF  }
0xc3: {  	_ =	task.clear_ibuf [dreg:s8], $0x2FFFF;
	_ =	strace $0x9FFFFFFF  }
0xc4: {  	(tm) =	ssettm $0x7FFFFFFF  }
0xc5: {  	_ =	shalt  }
tec
execute0_lowered:
.L_overlay_start_1:
0x0: {  	(tag) =	ssettag $0x1  }
0x1: {  	s5 =	rddreg [dreg:$0x0];
	s1 =	srdreg.scid  }
0x2: {  	s2 =	rddreg [dreg:$0x1];
	s0 =	stileid.u32;
	s21 =	sand.u32 $0x1, s1  }
0x3: {  	s3 =	rddreg [dreg:$0x2];
	s6 =	sshll.u32 s0, $0x7;
	s7 =	sshll.u32 s21, $0x6  }
0x4: {  	s4 =	simm.s32 $0x0;
	s1 =	rddreg [dreg:$0x3];
	s6 =	sor.u32 s7, s6  }
0x5: {  	[smem:$0x7FF] =	sst s4;
	s7 =	sadd.s32 s6, s5  }
0x6: {  	_ =	strace $0x8000004A;
	s6 =	simm.s32 $0x3;
	s5 =	sadd.s32 $0xC00, s7  }
0x7: {  	[tilespmem:s4], [sflag:$0x3] =	stream.linear.gather [hbm4b:s5+s4], $0x200, $0x38;
	[tilespmem:$0x10400] =	vst v63  }
0x8: {  	_ =	swait.ge [sflag:s6], $0x200  }
0x9: {  	[sflag:s6] =	ssyncset.done $0x0  }
0xa: {  	s8 =	simm.s32 $0x200;
	s7 =	sadd.s32 $0x1400, s7;
	[sflag:s6] =	ssyncadd.s32 $0xFFFFFE00  }
0xb: {  	[tilespmem:s8], [sflag:$0x3] =	stream.linear.gather [hbm4b:s7+s4], $0x200, $0x38;
	[tilespmem:$0x10400] =	vst v63  }
0xc: {  	_ =	swait.ge [sflag:s6], $0x200  }
0xd: {  	[sflag:s6] =	ssyncset.done $0x0  }
0xe: {  	s9 =	simm.s32 $0x80;
	s10 =	simm.s32 $0x400;
	[sflag:s6] =	ssyncadd.s32 $0xFFFFFE00  }
0xf: {  	[tilespmem:s10], [sflag:$0x1] =	stream.indirect.gather [hbm4b:s2+s9], $0x80, s8, s9, $0xb8;
	[tilespmem:$0x10400] =	vst v63  }
0x10: {  	s11 =	simm.s32 $0x280;
	s12 =	simm.s32 $0x4400  }
0x11: {  	[tilespmem:s12], [sflag:$0x1] =	stream.indirect.gather [hbm4b:s2+s9], $0x80, s11, s9, $0xb8;
	[tilespmem:$0x10400] =	vst v63  }
0x12: {  	s13 =	simm.s32 $0x300;
	s14 =	simm.s32 $0x8400  }
0x13: {  	[tilespmem:s14], [sflag:$0x1] =	stream.indirect.gather [hbm4b:s2+s9], $0x80, s13, s9, $0xb8;
	[tilespmem:$0x10400] =	vst v63  }
0x14: {  	s15 =	simm.s32 $0x380;
	s16 =	simm.s32 $0xC400;
	s17 =	simm.s32 $0x1  }
0x15: {  	[tilespmem:s16], [sflag:$0x1] =	stream.indirect.gather [hbm4b:s2+s9], $0x80, s15, s9, $0xb8;
	[tilespmem:$0x10400] =	vst v63  }
0x16: {  	_ =	swait.ge [sflag:s17], $0x4000  }
0x17: {  	[sflag:s17] =	ssyncset.done $0x0  }
0x18: {  	[sflag:s17] =	ssyncadd.s32 $0xFFFFC000  }
0x19: {  	[hbm4b:s3+s9] =	stream.indirect.scatter [tilespmem:s10], [sflag:$0x2], $0x80, s4, s9, $0xb8;
	[tilespmem:$0x10400] =	vst v63  }
0x1a: {  	_ =	swait.ge [sflag:s17], $0x4000  }
0x1b: {  	[sflag:s17] =	ssyncset.done $0x0  }
0x1c: {  	[sflag:s17] =	ssyncadd.s32 $0xFFFFC000  }
0x1d: {  	[hbm4b:s3+s9] =	stream.indirect.scatter [tilespmem:s12], [sflag:$0x2], $0x80, s9, s9, $0xb8;
	[tilespmem:$0x10400] =	vst v63  }
0x1e: {  	_ =	swait.ge [sflag:s17], $0x4000  }
0x1f: {  	[sflag:s17] =	ssyncset.done $0x0  }
0x20: {  	s18 =	simm.s32 $0x100;
	[sflag:s17] =	ssyncadd.s32 $0xFFFFC000  }
0x21: {  	[hbm4b:s3+s9] =	stream.indirect.scatter [tilespmem:s14], [sflag:$0x2], $0x80, s18, s9, $0xb8;
	[tilespmem:$0x10400] =	vst v63  }
0x22: {  	_ =	swait.ge [sflag:s17], $0x4000  }
0x23: {  	[sflag:s17] =	ssyncset.done $0x0  }
0x24: {  	s20 =	simm.s32 $0x180;
	s19 =	simm.s32 $0x2;
	[sflag:s17] =	ssyncadd.s32 $0xFFFFC000  }
0x25: {  	[hbm4b:s3+s9] =	stream.indirect.scatter [tilespmem:s16], [sflag:$0x2], $0x80, s20, s9, $0xb8;
	[tilespmem:$0x10400] =	vst v63  }
0x26: {  	_ =	swait.ge [sflag:s19], $0x4000  }
0x27: {  	s21 =	ssub.s32 $0x2, s21;
	[sflag:s19] =	ssyncset.done $0x0  }
0x28: {  	s22 =	sshrl.u32 s21, $0x1;
	[sflag:s19] =	ssyncadd.s32 $0xFFFFC000  }
0x29: {  	s21 =	ssub.s32 s21, s22;
	_ =	swait.ge [sflag:s19], $0x4000  }
0x2a: {  	s21 =	smax.u32 s21, $0x1;
	[sflag:s19] =	ssyncset.done $0x0  }
0x2b: {  	p0 =	sne.s32 s21, $0x1;
	[sflag:s19] =	ssyncadd.s32 $0xFFFFC000  }
.Ltmp0:
0x2c: {  	_ =	swait.ge [sflag:s19], $0x4000;
	(pc) =	sbr.rel @!p0 .LBB2_2-.Ltmp0, $4  }
0x2d: {  	[sflag:s19] =	ssyncset.done $0x0  }
0x2e: {  	[sflag:s19] =	ssyncadd.s32 $0xFFFFC000  }
0x2f: {  	_ =	swait.ge [sflag:s19], $0x4000  }
0x30: {  	s21 =	sadd.s32 $0xFFFFFFFF, s21;
	[sflag:s19] =	ssyncset.done $0x0  }
.LBB2_1:
0x31: {  	p0 =	sne.s32 s21, $0x1;
	s21 =	sadd.s32 $0xFFFFFFFF, s21;
	[sflag:s19] =	ssyncadd.s32 $0xFFFFC000  }
0x32: {  	[tilespmem:s4], [sflag:$0x3] =	stream.linear.gather [hbm4b:s5+s4], $0x200, $0x38;
	[tilespmem:$0x10400] =	vst v63  }
0x33: {  	_ =	swait.ge [sflag:s6], $0x200  }
0x34: {  	[sflag:s6] =	ssyncset.done $0x0  }
0x35: {  	[sflag:s6] =	ssyncadd.s32 $0xFFFFFE00  }
0x36: {  	[tilespmem:s8], [sflag:$0x3] =	stream.linear.gather [hbm4b:s7+s4], $0x200, $0x38;
	[tilespmem:$0x10400] =	vst v63  }
0x37: {  	_ =	swait.ge [sflag:s6], $0x200  }
0x38: {  	[sflag:s6] =	ssyncset.done $0x0  }
0x39: {  	[sflag:s6] =	ssyncadd.s32 $0xFFFFFE00  }
0x3a: {  	[tilespmem:s10], [sflag:$0x1] =	stream.indirect.gather [hbm4b:s2+s9], $0x80, s8, s9, $0xb8;
	[tilespmem:$0x10400] =	vst v63  }
0x3b: {  	_ = 	snop  }
0x3c: {  	[tilespmem:s12], [sflag:$0x1] =	stream.indirect.gather [hbm4b:s2+s9], $0x80, s11, s9, $0xb8;
	[tilespmem:$0x10400] =	vst v63  }
0x3d: {  	_ = 	snop  }
0x3e: {  	[tilespmem:s14], [sflag:$0x1] =	stream.indirect.gather [hbm4b:s2+s9], $0x80, s13, s9, $0xb8;
	[tilespmem:$0x10400] =	vst v63  }
0x3f: {  	_ = 	snop  }
0x40: {  	[tilespmem:s16], [sflag:$0x1] =	stream.indirect.gather [hbm4b:s2+s9], $0x80, s15, s9, $0xb8;
	[tilespmem:$0x10400] =	vst v63  }
0x41: {  	_ =	swait.ge [sflag:s17], $0x4000  }
0x42: {  	[sflag:s17] =	ssyncset.done $0x0  }
0x43: {  	[sflag:s17] =	ssyncadd.s32 $0xFFFFC000  }
0x44: {  	[hbm4b:s3+s9] =	stream.indirect.scatter [tilespmem:s10], [sflag:$0x2], $0x80, s4, s9, $0xb8;
	[tilespmem:$0x10400] =	vst v63  }
0x45: {  	_ =	swait.ge [sflag:s17], $0x4000  }
0x46: {  	[sflag:s17] =	ssyncset.done $0x0  }
0x47: {  	[sflag:s17] =	ssyncadd.s32 $0xFFFFC000  }
0x48: {  	[hbm4b:s3+s9] =	stream.indirect.scatter [tilespmem:s12], [sflag:$0x2], $0x80, s9, s9, $0xb8;
	[tilespmem:$0x10400] =	vst v63  }
0x49: {  	_ =	swait.ge [sflag:s17], $0x4000  }
0x4a: {  	[sflag:s17] =	ssyncset.done $0x0  }
0x4b: {  	[sflag:s17] =	ssyncadd.s32 $0xFFFFC000  }
0x4c: {  	[hbm4b:s3+s9] =	stream.indirect.scatter [tilespmem:s14], [sflag:$0x2], $0x80, s18, s9, $0xb8;
	[tilespmem:$0x10400] =	vst v63  }
0x4d: {  	_ =	swait.ge [sflag:s17], $0x4000  }
0x4e: {  	[sflag:s17] =	ssyncset.done $0x0  }
0x4f: {  	[sflag:s17] =	ssyncadd.s32 $0xFFFFC000  }
0x50: {  	[hbm4b:s3+s9] =	stream.indirect.scatter [tilespmem:s16], [sflag:$0x2], $0x80, s20, s9, $0xb8;
	[tilespmem:$0x10400] =	vst v63  }
0x51: {  	_ =	swait.ge [sflag:s19], $0x4000  }
0x52: {  	[sflag:s19] =	ssyncset.done $0x0  }
0x53: {  	[sflag:s19] =	ssyncadd.s32 $0xFFFFC000  }
0x54: {  	_ =	swait.ge [sflag:s19], $0x4000  }
0x55: {  	[sflag:s19] =	ssyncset.done $0x0  }
0x56: {  	[sflag:s19] =	ssyncadd.s32 $0xFFFFC000  }
.Ltmp1:
0x57: {  	_ =	swait.ge [sflag:s19], $0x4000;
	(pc) =	sbr.rel @p0 .LBB2_1-.Ltmp1, $4  }
0x58: {  	[sflag:s19] =	ssyncset.done $0x0  }
0x59: {  	[sflag:s19] =	ssyncadd.s32 $0xFFFFC000  }
0x5a: {  	_ =	swait.ge [sflag:s19], $0x4000  }
0x5b: {  	[sflag:s19] =	ssyncset.done $0x0  }
.LBB2_2:
0x5c: {  	[sflag:s19] =	ssyncadd.s32 $0xFFFFC000  }
0x5d: {  	_ =	sfence.sel $0x180000  }
0x5e: {  	[bflag:$0x0] =	sbarrier.arrive $0xFFFF  }
0x5f: {  	p0 =	sne.s32 s0, $0x0;
	_ =	strace $0x9000004A  }
0x60: {  	s0 =	sadd.s32 @!p0 $0x100000, s1;
	[bflag:$0x2] =	sbarrier.arrive $0xFFFF  }
0x61: {  	[sflag:s0] =	ssyncadd.tile.s32 @!p0 $0x1;
	_ =	shalt  }
.Lfunc_end2:
_tile_overlayer_lowered:
.L_overlay_start_2:
0x62: {  	(tag) =	ssettag $0x2  }
0x63: {  	s0 =	rddreg [dreg:$0x0];
	s2 =	stileid.u32  }
0x64: {  	s1 =	rddreg [dreg:$0x1];
	p0 =	sne.s32 s2, $0x0  }
0x65: {  	s3 =	rddreg [dreg:$0x2];
	[bflag:$0x3] =	sbarrier.arrive $0xFFFF;
	s2 =	simm.s32 @!p0 $0x1C03  }
0x66: {  	[timem:s3], [sflag:s2] =	dma.local @!p0 [hbm:s0], s1  }
0x67: {  	s0 =	simm.s32 @!p0 $0x3  }
0x68: {  	_ =	swait.ge @!p0 [sflag:s0], s1  }
0x69: {  	s1 =	ssub.s32 @!p0 $0x0, s1;
	[sflag:s0] =	ssyncset.done @!p0 $0x0  }
0x6a: {  	[sflag:s0] =	ssyncadd.s32 @!p0 s1  }
0x6b: {  	[bflag:$0x3] =	sbarrier.arrive $0xFFFF  }
0x6c: {  	_ =	shalt  }

</sc_bundles>
